<compile_context>
chip_gen: v7x
topology: tpu7x:2x2x1
jax: 0.10.2.dev20260603
libtpu: 0.0.44.dev20260713+nightly
codegen_flags: <defaults>
</compile_context>

<pallas_src>
import functools
import math

import jax
import jax.numpy as jnp
from jax import lax
from jax.experimental import pallas as pl
from jax.experimental.pallas import tpu as pltpu
from jax.experimental.pallas import tpu_sc as plsc

B, T, D = 4096, 200, 64
PAD = 0
V = 1000000
VPAD = 1048576
NC, NS = 2, 16
NW = NC * NS
BPW = B // NW
CHUNKS = (104, 96)
NLANE = 16
ND = D // NLANE

H = VPAD // 2
OBL = 16384
NGRID = H // OBL
LBLKS = (V + OBL - 1) // OBL


def _tc_repack(tabT):
    def body(x1_ref, x2_ref, e_ref, o_ref):
        e = e_ref[...]
        dn = (((0,), (0,)), ((), ()))
        y1 = lax.dot_general(x1_ref[...], e, dn,
                             preferred_element_type=jnp.float32)
        y2 = lax.dot_general(x2_ref[...], e, dn,
                             preferred_element_type=jnp.float32)
        o_ref[...] = jnp.concatenate([y1, y2], axis=1)

    return pl.pallas_call(
        body,
        grid=(NGRID,),
        in_specs=[
            pl.BlockSpec((D, OBL), lambda c: (0, c)),
            pl.BlockSpec((D, OBL),
                         lambda c: (0, jnp.minimum(NGRID + c, LBLKS - 1))),
            pl.BlockSpec((D, D), lambda c: (0, 0)),
        ],
        out_specs=pl.BlockSpec((OBL, 2 * D), lambda c: (c, 0)),
        out_shape=jax.ShapeDtypeStruct((H, 2 * D), jnp.float32),
        compiler_params=pltpu.CompilerParams(
            dimension_semantics=("arbitrary",),
            vmem_limit_bytes=63 * 1024 * 1024,
        ),
    )(tabT, tabT, jnp.eye(D, dtype=jnp.float32))


def _sc_row_sums(tok2, packed):
    mesh = plsc.VectorSubcoreMesh(core_axis_name="c", subcore_axis_name="s")

    @functools.partial(
        pl.kernel,
        mesh=mesh,
        out_type=jax.ShapeDtypeStruct((B, D), jnp.float32),
        scratch_types=[
            pltpu.VMEM((BPW, T), jnp.int32),
            pltpu.VMEM((4, T, D), jnp.float32),
            pltpu.VMEM((BPW, D), jnp.float32),
            pltpu.SemaphoreType.DMA,
            pltpu.SemaphoreType.DMA,
            pltpu.SemaphoreType.DMA,
            pltpu.SemaphoreType.DMA,
        ],
        compiler_params=pltpu.CompilerParams(use_tc_tiling_on_sc=False),
    )
    def k(tok_hbm, table_hbm, out_hbm, tok_v, rows_v, sums_v,
          sem0, sem1, sem2, sem3):
        sems = (sem0, sem1, sem2, sem3)
        wid = lax.axis_index("s") * NC + lax.axis_index("c")
        base = wid * BPW
        pltpu.sync_copy(tok_hbm.at[pl.ds(base, BPW)], tok_v)

        def issue(i, buf):
            off = 0
            for c in CHUNKS:
                pltpu.async_copy(
                    table_hbm.at[tok_v.at[i, pl.ds(off, c)]],
                    rows_v.at[buf, pl.ds(off, c)],
                    sems[buf],
                )
                off += c

        def drain(buf):
            pltpu.make_async_copy(
                table_hbm.at[pl.ds(0, T)], rows_v.at[buf], sems[buf]
            ).wait()

        def accumulate(buf, seq):
            def acc_t(t, accs):
                return tuple(
                    accs[d] + rows_v[buf, t, pl.ds(d * NLANE, NLANE)]
                    for d in range(ND)
                )
            accs = lax.fori_loop(
                0, T, acc_t,
                tuple(jnp.zeros((NLANE,), jnp.float32) for _ in range(ND)),
            )
            for d in range(ND):
                sums_v[seq, pl.ds(d * NLANE, NLANE)] = accs[d]

        for b in range(3):
            issue(b, b)

        def quad_body(i4, carry):
            a = 4 * i4
            for b in range(4):
                drain(b)
                accumulate(b, a + b)

                @pl.when(a + b + 3 < BPW)
                def _():
                    issue(a + b + 3, (b + 3) % 4)
            return carry

        lax.fori_loop(0, BPW // 4, quad_body, 0)
        pltpu.sync_copy(sums_v, out_hbm.at[pl.ds(base, BPW)])

    return k(tok2, packed)


def _tc_head(sums, tokens, Wt, b2, g2, be2):
    def body(s_ref, t_ref, w_ref, b_ref, g_ref, be_ref, o_ref):
        tok = t_ref[...]
        cnt = jnp.sum((tok != PAD).astype(jnp.float32), axis=1, keepdims=True)
        cnt = jnp.maximum(cnt, 1.0)
        pooled = s_ref[...] / cnt
        h = jnp.dot(pooled, w_ref[...], preferred_element_type=jnp.float32)
        h = h + b_ref[...]
        mean = jnp.mean(h, axis=-1, keepdims=True)
        var = jnp.mean(jnp.square(h - mean), axis=-1, keepdims=True)
        hn = (h - mean) * lax.rsqrt(var + 1e-5)
        hl = hn * g_ref[...] + be_ref[...]
        o_ref[...] = 0.5 * hl * (1.0 + lax.erf(hl * (1.0 / math.sqrt(2.0))))

    return pl.pallas_call(
        body,
        out_shape=jax.ShapeDtypeStruct((B, D), jnp.float32),
    )(sums, tokens, Wt, b2, g2, be2)


def kernel(prompt_tokens, emb_table, W, b, ln_gamma, ln_beta):
    tokens = prompt_tokens.astype(jnp.int32)
    wtok = jnp.where(tokens < H, 2 * tokens, 2 * (tokens - H) + 1)
    packed = _tc_repack(emb_table.T).reshape(VPAD, D)
    sums = _sc_row_sums(wtok, packed)
    return _tc_head(
        sums, tokens, W.T,
        b.reshape(1, D), ln_gamma.reshape(1, D), ln_beta.reshape(1, D),
    )

# --- scband reference (transcript-rebuilt; emitter-appended) ---
"""Pipeline reference for scband-simple-text-encoder-10153302688323 (READ-ONLY COPY).

The authoritative reference and input builder live on the scoring server;
editing this copy changes nothing except your own understanding.
"""

import jax, jax.numpy as jnp
import numpy as np

VOCAB = 1000000
TOKEN_DIM = 64
TEXT_DIM = 64
PAD_ID = 0
B, T = 4096, 200


def setup_inputs(seed: int = 0) -> dict:
    key = jax.random.key(seed)
    k1, k2, k3, k4 = jax.random.split(key, 4)
    prompt_tokens = jax.random.randint(k1, (B, T), 0, VOCAB, dtype=jnp.int32)
    emb_table = jax.random.normal(k2, (VOCAB, TOKEN_DIM), dtype=jnp.float32) * 0.02
    emb_table = emb_table.at[PAD_ID].set(0.0)  # padding_idx row zeroed like nn.Embedding
    W = jax.random.normal(k3, (TEXT_DIM, TOKEN_DIM), dtype=jnp.float32) * 0.05
    b = jnp.zeros((TEXT_DIM,), dtype=jnp.float32)
    ln_gamma = jnp.ones((TEXT_DIM,), dtype=jnp.float32)
    ln_beta = jnp.zeros((TEXT_DIM,), dtype=jnp.float32)
    return {"prompt_tokens": prompt_tokens, "emb_table": emb_table, "W": W, "b": b, "ln_gamma": ln_gamma, "ln_beta": ln_beta}


def reference(prompt_tokens, emb_table, W, b, ln_gamma, ln_beta):
    tokens = prompt_tokens.astype(jnp.int32)
    # embedding gather
    token_emb = jnp.take(emb_table, tokens, axis=0)  # [B, T, D]
    mask = (tokens != PAD_ID)[..., None].astype(token_emb.dtype)  # [B, T, 1]
    masked_sum = jnp.sum(token_emb * mask, axis=1)  # [B, D]
    counts = jnp.clip(jnp.sum(mask, axis=1), 1.0, None)  # [B, 1]
    pooled = masked_sum / counts
    # projection: Linear -> LayerNorm -> GELU (exact, erf-based like torch default)
    h = pooled @ W.T + b
    mean = jnp.mean(h, axis=-1, keepdims=True)
    var = jnp.mean((h - mean) ** 2, axis=-1, keepdims=True)
    h_norm = (h - mean) / jnp.sqrt(var + 1e-5)
    h_ln = h_norm * ln_gamma + ln_beta
    return jax.nn.gelu(h_ln, approximate=False)

if __name__ == "__main__":
    import jax
    _d = setup_inputs()
    print(jax.jit(kernel)(*tuple(_d.values())))

</pallas_src>

<mosaic_0001>
#map = affine_map<(d0, d1) -> (0, 0)>
module attributes {stable_mosaic.version = 14 : i64} {
  func.func @k(%arg0: i32, %arg1: i32, %arg2: memref<4096x200xi32, #tpu.memory_space<hbm>>, %arg3: memref<1048576x64xf32, #tpu.memory_space<hbm>>, %arg4: memref<4096x64xf32, #tpu.memory_space<hbm>>, %arg5: memref<128x200xi32, #tpu.memory_space<vmem>>, %arg6: memref<4x200x64xf32, #tpu.memory_space<vmem>>, %arg7: memref<128x64xf32, #tpu.memory_space<vmem>>, %arg8: memref<!tpu.dma_semaphore, #tpu.memory_space<semaphore_mem>>, %arg9: memref<!tpu.dma_semaphore, #tpu.memory_space<semaphore_mem>>, %arg10: memref<!tpu.dma_semaphore, #tpu.memory_space<semaphore_mem>>, %arg11: memref<!tpu.dma_semaphore, #tpu.memory_space<semaphore_mem>>) attributes {dimension_semantics = [#tpu.dimension_semantics<core_parallel>, #tpu.dimension_semantics<subcore_parallel>], iteration_bounds = array<i64: 2, 16>, scalar_prefetch = 0 : i64, scratch_operands = 7 : i64, tpu.core_type = #tpu.core_type<sc_vector_subcore>, window_params = [{transform_indices = #map}, {transform_indices = #map}, {transform_indices = #map}]} {
    %mul3A = arith.constant 2 : i32
    %mul3A_0 = arith.muli %arg1, %mul3A : i32
    %add3A = arith.addi %mul3A_0, %arg0 : i32
    %mul3A_1 = arith.constant 128 : i32
    %mul3A_2 = arith.muli %add3A, %mul3A_1 : i32
    "tpu.region"() ({
      %run_scoped3A = tpu.sem_alloc : memref<!tpu.dma_semaphore, #tpu.memory_space<semaphore_mem>>
      %dma_start3A_79 = arith.constant 0 : i32
      %dma_start3A_80 = tpu.memref_slice %arg2[%mul3A_2, %dma_start3A_79] : memref<4096x200xi32, #tpu.memory_space<hbm>> -> memref<128x200xi32, #tpu.memory_space<hbm>>
      %dma_start3A_81 = arith.constant 0 : i32
      %dma_start3A_82 = tpu.memref_slice %arg2[%mul3A_2, %dma_start3A_81] : memref<4096x200xi32, #tpu.memory_space<hbm>> -> memref<128x200xi32, #tpu.memory_space<hbm>>
      tpu.enqueue_dma source(%dma_start3A_82 : memref<128x200xi32, #tpu.memory_space<hbm>>) target(%arg5 : memref<128x200xi32, #tpu.memory_space<vmem>>) target_semaphore(%run_scoped3A : memref<!tpu.dma_semaphore, #tpu.memory_space<semaphore_mem>>)
      %dma_wait3A = arith.constant 0 : i32
      %dma_wait3A_83 = tpu.memref_slice %arg2[%mul3A_2, %dma_wait3A] : memref<4096x200xi32, #tpu.memory_space<hbm>> -> memref<128x200xi32, #tpu.memory_space<hbm>>
      %dma_wait3A_84 = arith.constant 0 : i32
      %dma_wait3A_85 = tpu.memref_slice %arg2[%mul3A_2, %dma_wait3A_84] : memref<4096x200xi32, #tpu.memory_space<hbm>> -> memref<128x200xi32, #tpu.memory_space<hbm>>
      tpu.wait_dma2 semaphore(%run_scoped3A : memref<!tpu.dma_semaphore, #tpu.memory_space<semaphore_mem>>) src(%dma_wait3A_85 : memref<128x200xi32, #tpu.memory_space<hbm>>) dst(%arg5 : memref<128x200xi32, #tpu.memory_space<vmem>>)
      tpu.yield
    }) : () -> ()
    %dma_start3A = arith.constant 0 : i32
    %dma_start3A_3 = arith.constant 0 : i32
    %dma_start3A_4 = arith.constant 0 : i32
    %dma_start3A_5 = arith.constant 0 : i32
    %dma_start3A_6 = tpu.memref_slice %arg6[%dma_start3A_3, %dma_start3A_4, %dma_start3A_5] : memref<4x200x64xf32, #tpu.memory_space<vmem>> -> memref<1x104x64xf32, #tpu.memory_space<vmem>>
    %dma_start3A_7 = tpu.memref_squeeze %dma_start3A_6 : memref<1x104x64xf32, #tpu.memory_space<vmem>> -> memref<104x64xf32, #tpu.memory_space<vmem>>
    %dma_start3A_8 = arith.constant 0 : i32
    %dma_start3A_9 = tpu.memref_slice %arg5[%dma_start3A, %dma_start3A_8] : memref<128x200xi32, #tpu.memory_space<vmem>> -> memref<1x104xi32, #tpu.memory_space<vmem>>
    %dma_start3A_10 = tpu.memref_squeeze %dma_start3A_9 : memref<1x104xi32, #tpu.memory_space<vmem>> -> memref<104xi32, #tpu.memory_space<vmem>>
    %dma_start3A_11 = arith.constant 0 : i32
    %dma_start3A_12 = arith.constant 0 : i32
    %dma_start3A_13 = tpu.memref_slice %arg3[%dma_start3A_11, %dma_start3A_12] : memref<1048576x64xf32, #tpu.memory_space<hbm>> -> memref<1048576x64xf32, #tpu.memory_space<hbm>>
    tpu.enqueue_indirect_dma source(%dma_start3A_13 : memref<1048576x64xf32, #tpu.memory_space<hbm>>) target(%dma_start3A_7 : memref<104x64xf32, #tpu.memory_space<vmem>>) offsets(%dma_start3A_10 : memref<104xi32, #tpu.memory_space<vmem>>) semaphore(%arg8 : memref<!tpu.dma_semaphore, #tpu.memory_space<semaphore_mem>>)
    %dma_start3A_14 = arith.constant 0 : i32
    %dma_start3A_15 = arith.constant 0 : i32
    %dma_start3A_16 = arith.constant 104 : i32
    %dma_start3A_17 = arith.constant 0 : i32
    %dma_start3A_18 = tpu.memref_slice %arg6[%dma_start3A_15, %dma_start3A_16, %dma_start3A_17] : memref<4x200x64xf32, #tpu.memory_space<vmem>> -> memref<1x96x64xf32, #tpu.memory_space<vmem>>
    %dma_start3A_19 = tpu.memref_squeeze %dma_start3A_18 : memref<1x96x64xf32, #tpu.memory_space<vmem>> -> memref<96x64xf32, #tpu.memory_space<vmem>>
    %dma_start3A_20 = arith.constant 104 : i32
    %dma_start3A_21 = tpu.memref_slice %arg5[%dma_start3A_14, %dma_start3A_20] : memref<128x200xi32, #tpu.memory_space<vmem>> -> memref<1x96xi32, #tpu.memory_space<vmem>>
    %dma_start3A_22 = tpu.memref_squeeze %dma_start3A_21 : memref<1x96xi32, #tpu.memory_space<vmem>> -> memref<96xi32, #tpu.memory_space<vmem>>
    %dma_start3A_23 = arith.constant 0 : i32
    %dma_start3A_24 = arith.constant 0 : i32
    %dma_start3A_25 = tpu.memref_slice %arg3[%dma_start3A_23, %dma_start3A_24] : memref<1048576x64xf32, #tpu.memory_space<hbm>> -> memref<1048576x64xf32, #tpu.memory_space<hbm>>
    tpu.enqueue_indirect_dma source(%dma_start3A_25 : memref<1048576x64xf32, #tpu.memory_space<hbm>>) target(%dma_start3A_19 : memref<96x64xf32, #tpu.memory_space<vmem>>) offsets(%dma_start3A_22 : memref<96xi32, #tpu.memory_space<vmem>>) semaphore(%arg8 : memref<!tpu.dma_semaphore, #tpu.memory_space<semaphore_mem>>)
    %dma_start3A_26 = arith.constant 1 : i32
    %dma_start3A_27 = arith.constant 1 : i32
    %dma_start3A_28 = arith.constant 0 : i32
    %dma_start3A_29 = arith.constant 0 : i32
    %dma_start3A_30 = tpu.memref_slice %arg6[%dma_start3A_27, %dma_start3A_28, %dma_start3A_29] : memref<4x200x64xf32, #tpu.memory_space<vmem>> -> memref<1x104x64xf32, #tpu.memory_space<vmem>>
    %dma_start3A_31 = tpu.memref_squeeze %dma_start3A_30 : memref<1x104x64xf32, #tpu.memory_space<vmem>> -> memref<104x64xf32, #tpu.memory_space<vmem>>
    %dma_start3A_32 = arith.constant 0 : i32
    %dma_start3A_33 = tpu.memref_slice %arg5[%dma_start3A_26, %dma_start3A_32] : memref<128x200xi32, #tpu.memory_space<vmem>> -> memref<1x104xi32, #tpu.memory_space<vmem>>
    %dma_start3A_34 = tpu.memref_squeeze %dma_start3A_33 : memref<1x104xi32, #tpu.memory_space<vmem>> -> memref<104xi32, #tpu.memory_space<vmem>>
    %dma_start3A_35 = arith.constant 0 : i32
    %dma_start3A_36 = arith.constant 0 : i32
    %dma_start3A_37 = tpu.memref_slice %arg3[%dma_start3A_35, %dma_start3A_36] : memref<1048576x64xf32, #tpu.memory_space<hbm>> -> memref<1048576x64xf32, #tpu.memory_space<hbm>>
    tpu.enqueue_indirect_dma source(%dma_start3A_37 : memref<1048576x64xf32, #tpu.memory_space<hbm>>) target(%dma_start3A_31 : memref<104x64xf32, #tpu.memory_space<vmem>>) offsets(%dma_start3A_34 : memref<104xi32, #tpu.memory_space<vmem>>) semaphore(%arg9 : memref<!tpu.dma_semaphore, #tpu.memory_space<semaphore_mem>>)
    %dma_start3A_38 = arith.constant 1 : i32
    %dma_start3A_39 = arith.constant 1 : i32
    %dma_start3A_40 = arith.constant 104 : i32
    %dma_start3A_41 = arith.constant 0 : i32
    %dma_start3A_42 = tpu.memref_slice %arg6[%dma_start3A_39, %dma_start3A_40, %dma_start3A_41] : memref<4x200x64xf32, #tpu.memory_space<vmem>> -> memref<1x96x64xf32, #tpu.memory_space<vmem>>
    %dma_start3A_43 = tpu.memref_squeeze %dma_start3A_42 : memref<1x96x64xf32, #tpu.memory_space<vmem>> -> memref<96x64xf32, #tpu.memory_space<vmem>>
    %dma_start3A_44 = arith.constant 104 : i32
    %dma_start3A_45 = tpu.memref_slice %arg5[%dma_start3A_38, %dma_start3A_44] : memref<128x200xi32, #tpu.memory_space<vmem>> -> memref<1x96xi32, #tpu.memory_space<vmem>>
    %dma_start3A_46 = tpu.memref_squeeze %dma_start3A_45 : memref<1x96xi32, #tpu.memory_space<vmem>> -> memref<96xi32, #tpu.memory_space<vmem>>
    %dma_start3A_47 = arith.constant 0 : i32
    %dma_start3A_48 = arith.constant 0 : i32
    %dma_start3A_49 = tpu.memref_slice %arg3[%dma_start3A_47, %dma_start3A_48] : memref<1048576x64xf32, #tpu.memory_space<hbm>> -> memref<1048576x64xf32, #tpu.memory_space<hbm>>
    tpu.enqueue_indirect_dma source(%dma_start3A_49 : memref<1048576x64xf32, #tpu.memory_space<hbm>>) target(%dma_start3A_43 : memref<96x64xf32, #tpu.memory_space<vmem>>) offsets(%dma_start3A_46 : memref<96xi32, #tpu.memory_space<vmem>>) semaphore(%arg9 : memref<!tpu.dma_semaphore, #tpu.memory_space<semaphore_mem>>)
    %dma_start3A_50 = arith.constant 2 : i32
    %dma_start3A_51 = arith.constant 2 : i32
    %dma_start3A_52 = arith.constant 0 : i32
    %dma_start3A_53 = arith.constant 0 : i32
    %dma_start3A_54 = tpu.memref_slice %arg6[%dma_start3A_51, %dma_start3A_52, %dma_start3A_53] : memref<4x200x64xf32, #tpu.memory_space<vmem>> -> memref<1x104x64xf32, #tpu.memory_space<vmem>>
    %dma_start3A_55 = tpu.memref_squeeze %dma_start3A_54 : memref<1x104x64xf32, #tpu.memory_space<vmem>> -> memref<104x64xf32, #tpu.memory_space<vmem>>
    %dma_start3A_56 = arith.constant 0 : i32
    %dma_start3A_57 = tpu.memref_slice %arg5[%dma_start3A_50, %dma_start3A_56] : memref<128x200xi32, #tpu.memory_space<vmem>> -> memref<1x104xi32, #tpu.memory_space<vmem>>
    %dma_start3A_58 = tpu.memref_squeeze %dma_start3A_57 : memref<1x104xi32, #tpu.memory_space<vmem>> -> memref<104xi32, #tpu.memory_space<vmem>>
    %dma_start3A_59 = arith.constant 0 : i32
    %dma_start3A_60 = arith.constant 0 : i32
    %dma_start3A_61 = tpu.memref_slice %arg3[%dma_start3A_59, %dma_start3A_60] : memref<1048576x64xf32, #tpu.memory_space<hbm>> -> memref<1048576x64xf32, #tpu.memory_space<hbm>>
    tpu.enqueue_indirect_dma source(%dma_start3A_61 : memref<1048576x64xf32, #tpu.memory_space<hbm>>) target(%dma_start3A_55 : memref<104x64xf32, #tpu.memory_space<vmem>>) offsets(%dma_start3A_58 : memref<104xi32, #tpu.memory_space<vmem>>) semaphore(%arg10 : memref<!tpu.dma_semaphore, #tpu.memory_space<semaphore_mem>>)
    %dma_start3A_62 = arith.constant 2 : i32
    %dma_start3A_63 = arith.constant 2 : i32
    %dma_start3A_64 = arith.constant 104 : i32
    %dma_start3A_65 = arith.constant 0 : i32
    %dma_start3A_66 = tpu.memref_slice %arg6[%dma_start3A_63, %dma_start3A_64, %dma_start3A_65] : memref<4x200x64xf32, #tpu.memory_space<vmem>> -> memref<1x96x64xf32, #tpu.memory_space<vmem>>
    %dma_start3A_67 = tpu.memref_squeeze %dma_start3A_66 : memref<1x96x64xf32, #tpu.memory_space<vmem>> -> memref<96x64xf32, #tpu.memory_space<vmem>>
    %dma_start3A_68 = arith.constant 104 : i32
    %dma_start3A_69 = tpu.memref_slice %arg5[%dma_start3A_62, %dma_start3A_68] : memref<128x200xi32, #tpu.memory_space<vmem>> -> memref<1x96xi32, #tpu.memory_space<vmem>>
    %dma_start3A_70 = tpu.memref_squeeze %dma_start3A_69 : memref<1x96xi32, #tpu.memory_space<vmem>> -> memref<96xi32, #tpu.memory_space<vmem>>
    %dma_start3A_71 = arith.constant 0 : i32
    %dma_start3A_72 = arith.constant 0 : i32
    %dma_start3A_73 = tpu.memref_slice %arg3[%dma_start3A_71, %dma_start3A_72] : memref<1048576x64xf32, #tpu.memory_space<hbm>> -> memref<1048576x64xf32, #tpu.memory_space<hbm>>
    tpu.enqueue_indirect_dma source(%dma_start3A_73 : memref<1048576x64xf32, #tpu.memory_space<hbm>>) target(%dma_start3A_67 : memref<96x64xf32, #tpu.memory_space<vmem>>) offsets(%dma_start3A_70 : memref<96xi32, #tpu.memory_space<vmem>>) semaphore(%arg10 : memref<!tpu.dma_semaphore, #tpu.memory_space<semaphore_mem>>)
    %scan3A = arith.constant 0 : i32
    %scan3A_74 = arith.constant 0 : i32
    %scan3A_75 = arith.constant 32 : i32
    %scan3A_76 = arith.addi %scan3A_74, %scan3A_75 : i32
    %scan3A_77 = arith.constant 1 : i32
    scf.for %scan3A_79 = %scan3A_74 to %scan3A_76 step %scan3A_77  : i32 {
      %mul3A_80 = arith.constant 4 : i32
      %mul3A_81 = arith.muli %mul3A_80, %scan3A_79 : i32
      %dma_wait3A = arith.constant 0 : i32
      %dma_wait3A_82 = arith.constant 0 : i32
      %dma_wait3A_83 = arith.constant 0 : i32
      %dma_wait3A_84 = tpu.memref_slice %arg6[%dma_wait3A, %dma_wait3A_82, %dma_wait3A_83] : memref<4x200x64xf32, #tpu.memory_space<vmem>> -> memref<1x200x64xf32, #tpu.memory_space<vmem>>
      %dma_wait3A_85 = tpu.memref_squeeze %dma_wait3A_84 : memref<1x200x64xf32, #tpu.memory_space<vmem>> -> memref<200x64xf32, #tpu.memory_space<vmem>>
      %dma_wait3A_86 = arith.constant 0 : i32
      %dma_wait3A_87 = arith.constant 0 : i32
      %dma_wait3A_88 = tpu.memref_slice %arg3[%dma_wait3A_86, %dma_wait3A_87] : memref<1048576x64xf32, #tpu.memory_space<hbm>> -> memref<200x64xf32, #tpu.memory_space<hbm>>
      %dma_wait3A_89 = arith.constant 0 : i32
      %dma_wait3A_90 = arith.constant 0 : i32
      %dma_wait3A_91 = tpu.memref_slice %arg6[%dma_wait3A, %dma_wait3A_89, %dma_wait3A_90] : memref<4x200x64xf32, #tpu.memory_space<vmem>> -> memref<1x200x64xf32, #tpu.memory_space<vmem>>
      %dma_wait3A_92 = tpu.memref_squeeze %dma_wait3A_91 : memref<1x200x64xf32, #tpu.memory_space<vmem>> -> memref<200x64xf32, #tpu.memory_space<vmem>>
      %dma_wait3A_93 = arith.constant 0 : i32
      %dma_wait3A_94 = arith.constant 0 : i32
      %dma_wait3A_95 = tpu.memref_slice %arg3[%dma_wait3A_93, %dma_wait3A_94] : memref<1048576x64xf32, #tpu.memory_space<hbm>> -> memref<200x64xf32, #tpu.memory_space<hbm>>
      tpu.wait_dma2 semaphore(%arg8 : memref<!tpu.dma_semaphore, #tpu.memory_space<semaphore_mem>>) src(%dma_wait3A_95 : memref<200x64xf32, #tpu.memory_space<hbm>>) dst(%dma_wait3A_92 : memref<200x64xf32, #tpu.memory_space<vmem>>)
      %add3A_96 = arith.constant 0 : i32
      %add3A_97 = arith.addi %mul3A_81, %add3A_96 : i32
      %broadcast_in_dim3A = arith.constant 0.000000e+00 : f32
      %broadcast_in_dim3A_98 = vector.broadcast %broadcast_in_dim3A : f32 to vector<16xf32>
      %broadcast_in_dim3A_99 = arith.constant 0.000000e+00 : f32
      %broadcast_in_dim3A_100 = vector.broadcast %broadcast_in_dim3A_99 : f32 to vector<16xf32>
      %broadcast_in_dim3A_101 = arith.constant 0.000000e+00 : f32
      %broadcast_in_dim3A_102 = vector.broadcast %broadcast_in_dim3A_101 : f32 to vector<16xf32>
      %broadcast_in_dim3A_103 = arith.constant 0.000000e+00 : f32
      %broadcast_in_dim3A_104 = vector.broadcast %broadcast_in_dim3A_103 : f32 to vector<16xf32>
      %scan3A_105 = arith.constant 0 : i32
      %scan3A_106 = arith.constant 200 : i32
      %scan3A_107 = arith.addi %scan3A_105, %scan3A_106 : i32
      %scan3A_108 = arith.constant 1 : i32
      %scan3A_109:4 = scf.for %scan3A_316 = %scan3A_105 to %scan3A_107 step %scan3A_108 iter_args(%scan3A_317 = %broadcast_in_dim3A_98, %scan3A_318 = %broadcast_in_dim3A_100, %scan3A_319 = %broadcast_in_dim3A_102, %scan3A_320 = %broadcast_in_dim3A_104) -> (vector<16xf32>, vector<16xf32>, vector<16xf32>, vector<16xf32>)  : i32 {
        %get3A = arith.constant 0 : i32
        %get3A_321 = arith.index_cast %get3A : i32 to index
        %get3A_322 = arith.index_cast %scan3A_316 : i32 to index
        %get3A_323 = arith.constant 0 : index
        %get3A_324 = tpu.vector_load %arg6[%get3A_321, %get3A_322, %get3A_323] {strides = array<i32>} : memref<4x200x64xf32, #tpu.memory_space<vmem>>, vector<1x1x16xf32>,
        %get3A_325 = vector.shape_cast %get3A_324 : vector<1x1x16xf32> to vector<16xf32>
        %add3A_326 = arith.addf %scan3A_317, %get3A_325 : vector<16xf32>
        %get3A_327 = arith.constant 0 : i32
        %get3A_328 = arith.index_cast %get3A_327 : i32 to index
        %get3A_329 = arith.index_cast %scan3A_316 : i32 to index
        %get3A_330 = arith.constant 16 : index
        %get3A_331 = tpu.vector_load %arg6[%get3A_328, %get3A_329, %get3A_330] {strides = array<i32>} : memref<4x200x64xf32, #tpu.memory_space<vmem>>, vector<1x1x16xf32>,
        %get3A_332 = vector.shape_cast %get3A_331 : vector<1x1x16xf32> to vector<16xf32>
        %add3A_333 = arith.addf %scan3A_318, %get3A_332 : vector<16xf32>
        %get3A_334 = arith.constant 0 : i32
        %get3A_335 = arith.index_cast %get3A_334 : i32 to index
        %get3A_336 = arith.index_cast %scan3A_316 : i32 to index
        %get3A_337 = arith.constant 32 : index
        %get3A_338 = tpu.vector_load %arg6[%get3A_335, %get3A_336, %get3A_337] {strides = array<i32>} : memref<4x200x64xf32, #tpu.memory_space<vmem>>, vector<1x1x16xf32>,
        %get3A_339 = vector.shape_cast %get3A_338 : vector<1x1x16xf32> to vector<16xf32>
        %add3A_340 = arith.addf %scan3A_319, %get3A_339 : vector<16xf32>
        %get3A_341 = arith.constant 0 : i32
        %get3A_342 = arith.index_cast %get3A_341 : i32 to index
        %get3A_343 = arith.index_cast %scan3A_316 : i32 to index
        %get3A_344 = arith.constant 48 : index
        %get3A_345 = tpu.vector_load %arg6[%get3A_342, %get3A_343, %get3A_344] {strides = array<i32>} : memref<4x200x64xf32, #tpu.memory_space<vmem>>, vector<1x1x16xf32>,
        %get3A_346 = vector.shape_cast %get3A_345 : vector<1x1x16xf32> to vector<16xf32>
        %add3A_347 = arith.addf %scan3A_320, %get3A_346 : vector<16xf32>
        scf.yield %add3A_326, %add3A_333, %add3A_340, %add3A_347 : vector<16xf32>, vector<16xf32>, vector<16xf32>, vector<16xf32>
      }
      %scan3A_110 = arith.constant 200 : i32
      %swap3A = arith.index_cast %add3A_97 : i32 to index
      %swap3A_111 = arith.constant 0 : index
      %swap3A_112 = tpu.vector_load %arg7[%swap3A, %swap3A_111] {strides = array<i32>} : memref<128x64xf32, #tpu.memory_space<vmem>>, vector<1x16xf32>,
      %swap3A_113 = vector.shape_cast %swap3A_112 : vector<1x16xf32> to vector<16xf32>
      %swap3A_114 = vector.shape_cast %scan3A_109#0 : vector<16xf32> to vector<1x16xf32>
      tpu.vector_store %arg7[%swap3A, %swap3A_111], %swap3A_114 {strides = array<i32>} : memref<128x64xf32, #tpu.memory_space<vmem>>, vector<1x16xf32>,
      %swap3A_115 = arith.index_cast %add3A_97 : i32 to index
      %swap3A_116 = arith.constant 16 : index
      %swap3A_117 = tpu.vector_load %arg7[%swap3A_115, %swap3A_116] {strides = array<i32>} : memref<128x64xf32, #tpu.memory_space<vmem>>, vector<1x16xf32>,
      %swap3A_118 = vector.shape_cast %swap3A_117 : vector<1x16xf32> to vector<16xf32>
      %swap3A_119 = vector.shape_cast %scan3A_109#1 : vector<16xf32> to vector<1x16xf32>
      tpu.vector_store %arg7[%swap3A_115, %swap3A_116], %swap3A_119 {strides = array<i32>} : memref<128x64xf32, #tpu.memory_space<vmem>>, vector<1x16xf32>,
      %swap3A_120 = arith.index_cast %add3A_97 : i32 to index
      %swap3A_121 = arith.constant 32 : index
      %swap3A_122 = tpu.vector_load %arg7[%swap3A_120, %swap3A_121] {strides = array<i32>} : memref<128x64xf32, #tpu.memory_space<vmem>>, vector<1x16xf32>,
      %swap3A_123 = vector.shape_cast %swap3A_122 : vector<1x16xf32> to vector<16xf32>
      %swap3A_124 = vector.shape_cast %scan3A_109#2 : vector<16xf32> to vector<1x16xf32>
      tpu.vector_store %arg7[%swap3A_120, %swap3A_121], %swap3A_124 {strides = array<i32>} : memref<128x64xf32, #tpu.memory_space<vmem>>, vector<1x16xf32>,
      %swap3A_125 = arith.index_cast %add3A_97 : i32 to index
      %swap3A_126 = arith.constant 48 : index
      %swap3A_127 = tpu.vector_load %arg7[%swap3A_125, %swap3A_126] {strides = array<i32>} : memref<128x64xf32, #tpu.memory_space<vmem>>, vector<1x16xf32>,
      %swap3A_128 = vector.shape_cast %swap3A_127 : vector<1x16xf32> to vector<16xf32>
      %swap3A_129 = vector.shape_cast %scan3A_109#3 : vector<16xf32> to vector<1x16xf32>
      tpu.vector_store %arg7[%swap3A_125, %swap3A_126], %swap3A_129 {strides = array<i32>} : memref<128x64xf32, #tpu.memory_space<vmem>>, vector<1x16xf32>,
      %add3A_130 = arith.constant 0 : i32
      %add3A_131 = arith.addi %mul3A_81, %add3A_130 : i32
      %add3A_132 = arith.constant 3 : i32
      %add3A_133 = arith.addi %add3A_131, %add3A_132 : i32
      %lt3A = arith.constant 128 : i32
      %lt3A_134 = arith.cmpi slt, %add3A_133, %lt3A : i32
      %convert_element_type3A = arith.extui %lt3A_134 : i1 to i32
      %cond3A = arith.constant 0 : i32
      %cond3A_135 = arith.cmpi ne, %convert_element_type3A, %cond3A : i32
      scf.if %cond3A_135 {
        %add3A_316 = arith.constant 0 : i32
        %add3A_317 = arith.addi %mul3A_81, %add3A_316 : i32
        %add3A_318 = arith.constant 3 : i32
        %add3A_319 = arith.addi %add3A_317, %add3A_318 : i32
        %dma_start3A_320 = arith.constant 3 : i32
        %dma_start3A_321 = arith.constant 0 : i32
        %dma_start3A_322 = arith.constant 0 : i32
        %dma_start3A_323 = tpu.memref_slice %arg6[%dma_start3A_320, %dma_start3A_321, %dma_start3A_322] : memref<4x200x64xf32, #tpu.memory_space<vmem>> -> memref<1x104x64xf32, #tpu.memory_space<vmem>>
        %dma_start3A_324 = tpu.memref_squeeze %dma_start3A_323 : memref<1x104x64xf32, #tpu.memory_space<vmem>> -> memref<104x64xf32, #tpu.memory_space<vmem>>
        %dma_start3A_325 = arith.constant 0 : i32
        %dma_start3A_326 = tpu.memref_slice %arg5[%add3A_319, %dma_start3A_325] : memref<128x200xi32, #tpu.memory_space<vmem>> -> memref<1x104xi32, #tpu.memory_space<vmem>>
        %dma_start3A_327 = tpu.memref_squeeze %dma_start3A_326 : memref<1x104xi32, #tpu.memory_space<vmem>> -> memref<104xi32, #tpu.memory_space<vmem>>
        %dma_start3A_328 = arith.constant 0 : i32
        %dma_start3A_329 = arith.constant 0 : i32
        %dma_start3A_330 = tpu.memref_slice %arg3[%dma_start3A_328, %dma_start3A_329] : memref<1048576x64xf32, #tpu.memory_space<hbm>> -> memref<1048576x64xf32, #tpu.memory_space<hbm>>
        tpu.enqueue_indirect_dma source(%dma_start3A_330 : memref<1048576x64xf32, #tpu.memory_space<hbm>>) target(%dma_start3A_324 : memref<104x64xf32, #tpu.memory_space<vmem>>) offsets(%dma_start3A_327 : memref<104xi32, #tpu.memory_space<vmem>>) semaphore(%arg11 : memref<!tpu.dma_semaphore, #tpu.memory_space<semaphore_mem>>)
        %dma_start3A_331 = arith.constant 3 : i32
        %dma_start3A_332 = arith.constant 104 : i32
        %dma_start3A_333 = arith.constant 0 : i32
        %dma_start3A_334 = tpu.memref_slice %arg6[%dma_start3A_331, %dma_start3A_332, %dma_start3A_333] : memref<4x200x64xf32, #tpu.memory_space<vmem>> -> memref<1x96x64xf32, #tpu.memory_space<vmem>>
        %dma_start3A_335 = tpu.memref_squeeze %dma_start3A_334 : memref<1x96x64xf32, #tpu.memory_space<vmem>> -> memref<96x64xf32, #tpu.memory_space<vmem>>
        %dma_start3A_336 = arith.constant 104 : i32
        %dma_start3A_337 = tpu.memref_slice %arg5[%add3A_319, %dma_start3A_336] : memref<128x200xi32, #tpu.memory_space<vmem>> -> memref<1x96xi32, #tpu.memory_space<vmem>>
        %dma_start3A_338 = tpu.memref_squeeze %dma_start3A_337 : memref<1x96xi32, #tpu.memory_space<vmem>> -> memref<96xi32, #tpu.memory_space<vmem>>
        %dma_start3A_339 = arith.constant 0 : i32
        %dma_start3A_340 = arith.constant 0 : i32
        %dma_start3A_341 = tpu.memref_slice %arg3[%dma_start3A_339, %dma_start3A_340] : memref<1048576x64xf32, #tpu.memory_space<hbm>> -> memref<1048576x64xf32, #tpu.memory_space<hbm>>
        tpu.enqueue_indirect_dma source(%dma_start3A_341 : memref<1048576x64xf32, #tpu.memory_space<hbm>>) target(%dma_start3A_335 : memref<96x64xf32, #tpu.memory_space<vmem>>) offsets(%dma_start3A_338 : memref<96xi32, #tpu.memory_space<vmem>>) semaphore(%arg11 : memref<!tpu.dma_semaphore, #tpu.memory_space<semaphore_mem>>)
      } else {
      }
      %dma_wait3A_136 = arith.constant 1 : i32
      %dma_wait3A_137 = arith.constant 0 : i32
      %dma_wait3A_138 = arith.constant 0 : i32
      %dma_wait3A_139 = tpu.memref_slice %arg6[%dma_wait3A_136, %dma_wait3A_137, %dma_wait3A_138] : memref<4x200x64xf32, #tpu.memory_space<vmem>> -> memref<1x200x64xf32, #tpu.memory_space<vmem>>
      %dma_wait3A_140 = tpu.memref_squeeze %dma_wait3A_139 : memref<1x200x64xf32, #tpu.memory_space<vmem>> -> memref<200x64xf32, #tpu.memory_space<vmem>>
      %dma_wait3A_141 = arith.constant 0 : i32
      %dma_wait3A_142 = arith.constant 0 : i32
      %dma_wait3A_143 = tpu.memref_slice %arg3[%dma_wait3A_141, %dma_wait3A_142] : memref<1048576x64xf32, #tpu.memory_space<hbm>> -> memref<200x64xf32, #tpu.memory_space<hbm>>
      %dma_wait3A_144 = arith.constant 0 : i32
      %dma_wait3A_145 = arith.constant 0 : i32
      %dma_wait3A_146 = tpu.memref_slice %arg6[%dma_wait3A_136, %dma_wait3A_144, %dma_wait3A_145] : memref<4x200x64xf32, #tpu.memory_space<vmem>> -> memref<1x200x64xf32, #tpu.memory_space<vmem>>
      %dma_wait3A_147 = tpu.memref_squeeze %dma_wait3A_146 : memref<1x200x64xf32, #tpu.memory_space<vmem>> -> memref<200x64xf32, #tpu.memory_space<vmem>>
      %dma_wait3A_148 = arith.constant 0 : i32
      %dma_wait3A_149 = arith.constant 0 : i32
      %dma_wait3A_150 = tpu.memref_slice %arg3[%dma_wait3A_148, %dma_wait3A_149] : memref<1048576x64xf32, #tpu.memory_space<hbm>> -> memref<200x64xf32, #tpu.memory_space<hbm>>
      tpu.wait_dma2 semaphore(%arg9 : memref<!tpu.dma_semaphore, #tpu.memory_space<semaphore_mem>>) src(%dma_wait3A_150 : memref<200x64xf32, #tpu.memory_space<hbm>>) dst(%dma_wait3A_147 : memref<200x64xf32, #tpu.memory_space<vmem>>)
      %add3A_151 = arith.constant 1 : i32
      %add3A_152 = arith.addi %mul3A_81, %add3A_151 : i32
      %broadcast_in_dim3A_153 = arith.constant 0.000000e+00 : f32
      %broadcast_in_dim3A_154 = vector.broadcast %broadcast_in_dim3A_153 : f32 to vector<16xf32>
      %broadcast_in_dim3A_155 = arith.constant 0.000000e+00 : f32
      %broadcast_in_dim3A_156 = vector.broadcast %broadcast_in_dim3A_155 : f32 to vector<16xf32>
      %broadcast_in_dim3A_157 = arith.constant 0.000000e+00 : f32
      %broadcast_in_dim3A_158 = vector.broadcast %broadcast_in_dim3A_157 : f32 to vector<16xf32>
      %broadcast_in_dim3A_159 = arith.constant 0.000000e+00 : f32
      %broadcast_in_dim3A_160 = vector.broadcast %broadcast_in_dim3A_159 : f32 to vector<16xf32>
      %scan3A_161 = arith.constant 0 : i32
      %scan3A_162 = arith.constant 200 : i32
      %scan3A_163 = arith.addi %scan3A_161, %scan3A_162 : i32
      %scan3A_164 = arith.constant 1 : i32
      %scan3A_165:4 = scf.for %scan3A_316 = %scan3A_161 to %scan3A_163 step %scan3A_164 iter_args(%scan3A_317 = %broadcast_in_dim3A_154, %scan3A_318 = %broadcast_in_dim3A_156, %scan3A_319 = %broadcast_in_dim3A_158, %scan3A_320 = %broadcast_in_dim3A_160) -> (vector<16xf32>, vector<16xf32>, vector<16xf32>, vector<16xf32>)  : i32 {
        %get3A = arith.constant 1 : i32
        %get3A_321 = arith.index_cast %get3A : i32 to index
        %get3A_322 = arith.index_cast %scan3A_316 : i32 to index
        %get3A_323 = arith.constant 0 : index
        %get3A_324 = tpu.vector_load %arg6[%get3A_321, %get3A_322, %get3A_323] {strides = array<i32>} : memref<4x200x64xf32, #tpu.memory_space<vmem>>, vector<1x1x16xf32>,
        %get3A_325 = vector.shape_cast %get3A_324 : vector<1x1x16xf32> to vector<16xf32>
        %add3A_326 = arith.addf %scan3A_317, %get3A_325 : vector<16xf32>
        %get3A_327 = arith.constant 1 : i32
        %get3A_328 = arith.index_cast %get3A_327 : i32 to index
        %get3A_329 = arith.index_cast %scan3A_316 : i32 to index
        %get3A_330 = arith.constant 16 : index
        %get3A_331 = tpu.vector_load %arg6[%get3A_328, %get3A_329, %get3A_330] {strides = array<i32>} : memref<4x200x64xf32, #tpu.memory_space<vmem>>, vector<1x1x16xf32>,
        %get3A_332 = vector.shape_cast %get3A_331 : vector<1x1x16xf32> to vector<16xf32>
        %add3A_333 = arith.addf %scan3A_318, %get3A_332 : vector<16xf32>
        %get3A_334 = arith.constant 1 : i32
        %get3A_335 = arith.index_cast %get3A_334 : i32 to index
        %get3A_336 = arith.index_cast %scan3A_316 : i32 to index
        %get3A_337 = arith.constant 32 : index
        %get3A_338 = tpu.vector_load %arg6[%get3A_335, %get3A_336, %get3A_337] {strides = array<i32>} : memref<4x200x64xf32, #tpu.memory_space<vmem>>, vector<1x1x16xf32>,
        %get3A_339 = vector.shape_cast %get3A_338 : vector<1x1x16xf32> to vector<16xf32>
        %add3A_340 = arith.addf %scan3A_319, %get3A_339 : vector<16xf32>
        %get3A_341 = arith.constant 1 : i32
        %get3A_342 = arith.index_cast %get3A_341 : i32 to index
        %get3A_343 = arith.index_cast %scan3A_316 : i32 to index
        %get3A_344 = arith.constant 48 : index
        %get3A_345 = tpu.vector_load %arg6[%get3A_342, %get3A_343, %get3A_344] {strides = array<i32>} : memref<4x200x64xf32, #tpu.memory_space<vmem>>, vector<1x1x16xf32>,
        %get3A_346 = vector.shape_cast %get3A_345 : vector<1x1x16xf32> to vector<16xf32>
        %add3A_347 = arith.addf %scan3A_320, %get3A_346 : vector<16xf32>
        scf.yield %add3A_326, %add3A_333, %add3A_340, %add3A_347 : vector<16xf32>, vector<16xf32>, vector<16xf32>, vector<16xf32>
      }
      %scan3A_166 = arith.constant 200 : i32
      %swap3A_167 = arith.index_cast %add3A_152 : i32 to index
      %swap3A_168 = arith.constant 0 : index
      %swap3A_169 = tpu.vector_load %arg7[%swap3A_167, %swap3A_168] {strides = array<i32>} : memref<128x64xf32, #tpu.memory_space<vmem>>, vector<1x16xf32>,
      %swap3A_170 = vector.shape_cast %swap3A_169 : vector<1x16xf32> to vector<16xf32>
      %swap3A_171 = vector.shape_cast %scan3A_165#0 : vector<16xf32> to vector<1x16xf32>
      tpu.vector_store %arg7[%swap3A_167, %swap3A_168], %swap3A_171 {strides = array<i32>} : memref<128x64xf32, #tpu.memory_space<vmem>>, vector<1x16xf32>,
      %swap3A_172 = arith.index_cast %add3A_152 : i32 to index
      %swap3A_173 = arith.constant 16 : index
      %swap3A_174 = tpu.vector_load %arg7[%swap3A_172, %swap3A_173] {strides = array<i32>} : memref<128x64xf32, #tpu.memory_space<vmem>>, vector<1x16xf32>,
      %swap3A_175 = vector.shape_cast %swap3A_174 : vector<1x16xf32> to vector<16xf32>
      %swap3A_176 = vector.shape_cast %scan3A_165#1 : vector<16xf32> to vector<1x16xf32>
      tpu.vector_store %arg7[%swap3A_172, %swap3A_173], %swap3A_176 {strides = array<i32>} : memref<128x64xf32, #tpu.memory_space<vmem>>, vector<1x16xf32>,
      %swap3A_177 = arith.index_cast %add3A_152 : i32 to index
      %swap3A_178 = arith.constant 32 : index
      %swap3A_179 = tpu.vector_load %arg7[%swap3A_177, %swap3A_178] {strides = array<i32>} : memref<128x64xf32, #tpu.memory_space<vmem>>, vector<1x16xf32>,
      %swap3A_180 = vector.shape_cast %swap3A_179 : vector<1x16xf32> to vector<16xf32>
      %swap3A_181 = vector.shape_cast %scan3A_165#2 : vector<16xf32> to vector<1x16xf32>
      tpu.vector_store %arg7[%swap3A_177, %swap3A_178], %swap3A_181 {strides = array<i32>} : memref<128x64xf32, #tpu.memory_space<vmem>>, vector<1x16xf32>,
      %swap3A_182 = arith.index_cast %add3A_152 : i32 to index
      %swap3A_183 = arith.constant 48 : index
      %swap3A_184 = tpu.vector_load %arg7[%swap3A_182, %swap3A_183] {strides = array<i32>} : memref<128x64xf32, #tpu.memory_space<vmem>>, vector<1x16xf32>,
      %swap3A_185 = vector.shape_cast %swap3A_184 : vector<1x16xf32> to vector<16xf32>
      %swap3A_186 = vector.shape_cast %scan3A_165#3 : vector<16xf32> to vector<1x16xf32>
      tpu.vector_store %arg7[%swap3A_182, %swap3A_183], %swap3A_186 {strides = array<i32>} : memref<128x64xf32, #tpu.memory_space<vmem>>, vector<1x16xf32>,
      %add3A_187 = arith.constant 1 : i32
      %add3A_188 = arith.addi %mul3A_81, %add3A_187 : i32
      %add3A_189 = arith.constant 3 : i32
      %add3A_190 = arith.addi %add3A_188, %add3A_189 : i32
      %lt3A_191 = arith.constant 128 : i32
      %lt3A_192 = arith.cmpi slt, %add3A_190, %lt3A_191 : i32
      %convert_element_type3A_193 = arith.extui %lt3A_192 : i1 to i32
      %cond3A_194 = arith.constant 0 : i32
      %cond3A_195 = arith.cmpi ne, %convert_element_type3A_193, %cond3A_194 : i32
      scf.if %cond3A_195 {
        %add3A_316 = arith.constant 1 : i32
        %add3A_317 = arith.addi %mul3A_81, %add3A_316 : i32
        %add3A_318 = arith.constant 3 : i32
        %add3A_319 = arith.addi %add3A_317, %add3A_318 : i32
        %dma_start3A_320 = arith.constant 0 : i32
        %dma_start3A_321 = arith.constant 0 : i32
        %dma_start3A_322 = arith.constant 0 : i32
        %dma_start3A_323 = tpu.memref_slice %arg6[%dma_start3A_320, %dma_start3A_321, %dma_start3A_322] : memref<4x200x64xf32, #tpu.memory_space<vmem>> -> memref<1x104x64xf32, #tpu.memory_space<vmem>>
        %dma_start3A_324 = tpu.memref_squeeze %dma_start3A_323 : memref<1x104x64xf32, #tpu.memory_space<vmem>> -> memref<104x64xf32, #tpu.memory_space<vmem>>
        %dma_start3A_325 = arith.constant 0 : i32
        %dma_start3A_326 = tpu.memref_slice %arg5[%add3A_319, %dma_start3A_325] : memref<128x200xi32, #tpu.memory_space<vmem>> -> memref<1x104xi32, #tpu.memory_space<vmem>>
        %dma_start3A_327 = tpu.memref_squeeze %dma_start3A_326 : memref<1x104xi32, #tpu.memory_space<vmem>> -> memref<104xi32, #tpu.memory_space<vmem>>
        %dma_start3A_328 = arith.constant 0 : i32
        %dma_start3A_329 = arith.constant 0 : i32
        %dma_start3A_330 = tpu.memref_slice %arg3[%dma_start3A_328, %dma_start3A_329] : memref<1048576x64xf32, #tpu.memory_space<hbm>> -> memref<1048576x64xf32, #tpu.memory_space<hbm>>
        tpu.enqueue_indirect_dma source(%dma_start3A_330 : memref<1048576x64xf32, #tpu.memory_space<hbm>>) target(%dma_start3A_324 : memref<104x64xf32, #tpu.memory_space<vmem>>) offsets(%dma_start3A_327 : memref<104xi32, #tpu.memory_space<vmem>>) semaphore(%arg8 : memref<!tpu.dma_semaphore, #tpu.memory_space<semaphore_mem>>)
        %dma_start3A_331 = arith.constant 0 : i32
        %dma_start3A_332 = arith.constant 104 : i32
        %dma_start3A_333 = arith.constant 0 : i32
        %dma_start3A_334 = tpu.memref_slice %arg6[%dma_start3A_331, %dma_start3A_332, %dma_start3A_333] : memref<4x200x64xf32, #tpu.memory_space<vmem>> -> memref<1x96x64xf32, #tpu.memory_space<vmem>>
        %dma_start3A_335 = tpu.memref_squeeze %dma_start3A_334 : memref<1x96x64xf32, #tpu.memory_space<vmem>> -> memref<96x64xf32, #tpu.memory_space<vmem>>
        %dma_start3A_336 = arith.constant 104 : i32
        %dma_start3A_337 = tpu.memref_slice %arg5[%add3A_319, %dma_start3A_336] : memref<128x200xi32, #tpu.memory_space<vmem>> -> memref<1x96xi32, #tpu.memory_space<vmem>>
        %dma_start3A_338 = tpu.memref_squeeze %dma_start3A_337 : memref<1x96xi32, #tpu.memory_space<vmem>> -> memref<96xi32, #tpu.memory_space<vmem>>
        %dma_start3A_339 = arith.constant 0 : i32
        %dma_start3A_340 = arith.constant 0 : i32
        %dma_start3A_341 = tpu.memref_slice %arg3[%dma_start3A_339, %dma_start3A_340] : memref<1048576x64xf32, #tpu.memory_space<hbm>> -> memref<1048576x64xf32, #tpu.memory_space<hbm>>
        tpu.enqueue_indirect_dma source(%dma_start3A_341 : memref<1048576x64xf32, #tpu.memory_space<hbm>>) target(%dma_start3A_335 : memref<96x64xf32, #tpu.memory_space<vmem>>) offsets(%dma_start3A_338 : memref<96xi32, #tpu.memory_space<vmem>>) semaphore(%arg8 : memref<!tpu.dma_semaphore, #tpu.memory_space<semaphore_mem>>)
      } else {
      }
      %dma_wait3A_196 = arith.constant 2 : i32
      %dma_wait3A_197 = arith.constant 0 : i32
      %dma_wait3A_198 = arith.constant 0 : i32
      %dma_wait3A_199 = tpu.memref_slice %arg6[%dma_wait3A_196, %dma_wait3A_197, %dma_wait3A_198] : memref<4x200x64xf32, #tpu.memory_space<vmem>> -> memref<1x200x64xf32, #tpu.memory_space<vmem>>
      %dma_wait3A_200 = tpu.memref_squeeze %dma_wait3A_199 : memref<1x200x64xf32, #tpu.memory_space<vmem>> -> memref<200x64xf32, #tpu.memory_space<vmem>>
      %dma_wait3A_201 = arith.constant 0 : i32
      %dma_wait3A_202 = arith.constant 0 : i32
      %dma_wait3A_203 = tpu.memref_slice %arg3[%dma_wait3A_201, %dma_wait3A_202] : memref<1048576x64xf32, #tpu.memory_space<hbm>> -> memref<200x64xf32, #tpu.memory_space<hbm>>
      %dma_wait3A_204 = arith.constant 0 : i32
      %dma_wait3A_205 = arith.constant 0 : i32
      %dma_wait3A_206 = tpu.memref_slice %arg6[%dma_wait3A_196, %dma_wait3A_204, %dma_wait3A_205] : memref<4x200x64xf32, #tpu.memory_space<vmem>> -> memref<1x200x64xf32, #tpu.memory_space<vmem>>
      %dma_wait3A_207 = tpu.memref_squeeze %dma_wait3A_206 : memref<1x200x64xf32, #tpu.memory_space<vmem>> -> memref<200x64xf32, #tpu.memory_space<vmem>>
      %dma_wait3A_208 = arith.constant 0 : i32
      %dma_wait3A_209 = arith.constant 0 : i32
      %dma_wait3A_210 = tpu.memref_slice %arg3[%dma_wait3A_208, %dma_wait3A_209] : memref<1048576x64xf32, #tpu.memory_space<hbm>> -> memref<200x64xf32, #tpu.memory_space<hbm>>
      tpu.wait_dma2 semaphore(%arg10 : memref<!tpu.dma_semaphore, #tpu.memory_space<semaphore_mem>>) src(%dma_wait3A_210 : memref<200x64xf32, #tpu.memory_space<hbm>>) dst(%dma_wait3A_207 : memref<200x64xf32, #tpu.memory_space<vmem>>)
      %add3A_211 = arith.constant 2 : i32
      %add3A_212 = arith.addi %mul3A_81, %add3A_211 : i32
      %broadcast_in_dim3A_213 = arith.constant 0.000000e+00 : f32
      %broadcast_in_dim3A_214 = vector.broadcast %broadcast_in_dim3A_213 : f32 to vector<16xf32>
      %broadcast_in_dim3A_215 = arith.constant 0.000000e+00 : f32
      %broadcast_in_dim3A_216 = vector.broadcast %broadcast_in_dim3A_215 : f32 to vector<16xf32>
      %broadcast_in_dim3A_217 = arith.constant 0.000000e+00 : f32
      %broadcast_in_dim3A_218 = vector.broadcast %broadcast_in_dim3A_217 : f32 to vector<16xf32>
      %broadcast_in_dim3A_219 = arith.constant 0.000000e+00 : f32
      %broadcast_in_dim3A_220 = vector.broadcast %broadcast_in_dim3A_219 : f32 to vector<16xf32>
      %scan3A_221 = arith.constant 0 : i32
      %scan3A_222 = arith.constant 200 : i32
      %scan3A_223 = arith.addi %scan3A_221, %scan3A_222 : i32
      %scan3A_224 = arith.constant 1 : i32
      %scan3A_225:4 = scf.for %scan3A_316 = %scan3A_221 to %scan3A_223 step %scan3A_224 iter_args(%scan3A_317 = %broadcast_in_dim3A_214, %scan3A_318 = %broadcast_in_dim3A_216, %scan3A_319 = %broadcast_in_dim3A_218, %scan3A_320 = %broadcast_in_dim3A_220) -> (vector<16xf32>, vector<16xf32>, vector<16xf32>, vector<16xf32>)  : i32 {
        %get3A = arith.constant 2 : i32
        %get3A_321 = arith.index_cast %get3A : i32 to index
        %get3A_322 = arith.index_cast %scan3A_316 : i32 to index
        %get3A_323 = arith.constant 0 : index
        %get3A_324 = tpu.vector_load %arg6[%get3A_321, %get3A_322, %get3A_323] {strides = array<i32>} : memref<4x200x64xf32, #tpu.memory_space<vmem>>, vector<1x1x16xf32>,
        %get3A_325 = vector.shape_cast %get3A_324 : vector<1x1x16xf32> to vector<16xf32>
        %add3A_326 = arith.addf %scan3A_317, %get3A_325 : vector<16xf32>
        %get3A_327 = arith.constant 2 : i32
        %get3A_328 = arith.index_cast %get3A_327 : i32 to index
        %get3A_329 = arith.index_cast %scan3A_316 : i32 to index
        %get3A_330 = arith.constant 16 : index
        %get3A_331 = tpu.vector_load %arg6[%get3A_328, %get3A_329, %get3A_330] {strides = array<i32>} : memref<4x200x64xf32, #tpu.memory_space<vmem>>, vector<1x1x16xf32>,
        %get3A_332 = vector.shape_cast %get3A_331 : vector<1x1x16xf32> to vector<16xf32>
        %add3A_333 = arith.addf %scan3A_318, %get3A_332 : vector<16xf32>
        %get3A_334 = arith.constant 2 : i32
        %get3A_335 = arith.index_cast %get3A_334 : i32 to index
        %get3A_336 = arith.index_cast %scan3A_316 : i32 to index
        %get3A_337 = arith.constant 32 : index
        %get3A_338 = tpu.vector_load %arg6[%get3A_335, %get3A_336, %get3A_337] {strides = array<i32>} : memref<4x200x64xf32, #tpu.memory_space<vmem>>, vector<1x1x16xf32>,
        %get3A_339 = vector.shape_cast %get3A_338 : vector<1x1x16xf32> to vector<16xf32>
        %add3A_340 = arith.addf %scan3A_319, %get3A_339 : vector<16xf32>
        %get3A_341 = arith.constant 2 : i32
        %get3A_342 = arith.index_cast %get3A_341 : i32 to index
        %get3A_343 = arith.index_cast %scan3A_316 : i32 to index
        %get3A_344 = arith.constant 48 : index
        %get3A_345 = tpu.vector_load %arg6[%get3A_342, %get3A_343, %get3A_344] {strides = array<i32>} : memref<4x200x64xf32, #tpu.memory_space<vmem>>, vector<1x1x16xf32>,
        %get3A_346 = vector.shape_cast %get3A_345 : vector<1x1x16xf32> to vector<16xf32>
        %add3A_347 = arith.addf %scan3A_320, %get3A_346 : vector<16xf32>
        scf.yield %add3A_326, %add3A_333, %add3A_340, %add3A_347 : vector<16xf32>, vector<16xf32>, vector<16xf32>, vector<16xf32>
      }
      %scan3A_226 = arith.constant 200 : i32
      %swap3A_227 = arith.index_cast %add3A_212 : i32 to index
      %swap3A_228 = arith.constant 0 : index
      %swap3A_229 = tpu.vector_load %arg7[%swap3A_227, %swap3A_228] {strides = array<i32>} : memref<128x64xf32, #tpu.memory_space<vmem>>, vector<1x16xf32>,
      %swap3A_230 = vector.shape_cast %swap3A_229 : vector<1x16xf32> to vector<16xf32>
      %swap3A_231 = vector.shape_cast %scan3A_225#0 : vector<16xf32> to vector<1x16xf32>
      tpu.vector_store %arg7[%swap3A_227, %swap3A_228], %swap3A_231 {strides = array<i32>} : memref<128x64xf32, #tpu.memory_space<vmem>>, vector<1x16xf32>,
      %swap3A_232 = arith.index_cast %add3A_212 : i32 to index
      %swap3A_233 = arith.constant 16 : index
      %swap3A_234 = tpu.vector_load %arg7[%swap3A_232, %swap3A_233] {strides = array<i32>} : memref<128x64xf32, #tpu.memory_space<vmem>>, vector<1x16xf32>,
      %swap3A_235 = vector.shape_cast %swap3A_234 : vector<1x16xf32> to vector<16xf32>
      %swap3A_236 = vector.shape_cast %scan3A_225#1 : vector<16xf32> to vector<1x16xf32>
      tpu.vector_store %arg7[%swap3A_232, %swap3A_233], %swap3A_236 {strides = array<i32>} : memref<128x64xf32, #tpu.memory_space<vmem>>, vector<1x16xf32>,
      %swap3A_237 = arith.index_cast %add3A_212 : i32 to index
      %swap3A_238 = arith.constant 32 : index
      %swap3A_239 = tpu.vector_load %arg7[%swap3A_237, %swap3A_238] {strides = array<i32>} : memref<128x64xf32, #tpu.memory_space<vmem>>, vector<1x16xf32>,
      %swap3A_240 = vector.shape_cast %swap3A_239 : vector<1x16xf32> to vector<16xf32>
      %swap3A_241 = vector.shape_cast %scan3A_225#2 : vector<16xf32> to vector<1x16xf32>
      tpu.vector_store %arg7[%swap3A_237, %swap3A_238], %swap3A_241 {strides = array<i32>} : memref<128x64xf32, #tpu.memory_space<vmem>>, vector<1x16xf32>,
      %swap3A_242 = arith.index_cast %add3A_212 : i32 to index
      %swap3A_243 = arith.constant 48 : index
      %swap3A_244 = tpu.vector_load %arg7[%swap3A_242, %swap3A_243] {strides = array<i32>} : memref<128x64xf32, #tpu.memory_space<vmem>>, vector<1x16xf32>,
      %swap3A_245 = vector.shape_cast %swap3A_244 : vector<1x16xf32> to vector<16xf32>
      %swap3A_246 = vector.shape_cast %scan3A_225#3 : vector<16xf32> to vector<1x16xf32>
      tpu.vector_store %arg7[%swap3A_242, %swap3A_243], %swap3A_246 {strides = array<i32>} : memref<128x64xf32, #tpu.memory_space<vmem>>, vector<1x16xf32>,
      %add3A_247 = arith.constant 2 : i32
      %add3A_248 = arith.addi %mul3A_81, %add3A_247 : i32
      %add3A_249 = arith.constant 3 : i32
      %add3A_250 = arith.addi %add3A_248, %add3A_249 : i32
      %lt3A_251 = arith.constant 128 : i32
      %lt3A_252 = arith.cmpi slt, %add3A_250, %lt3A_251 : i32
      %convert_element_type3A_253 = arith.extui %lt3A_252 : i1 to i32
      %cond3A_254 = arith.constant 0 : i32
      %cond3A_255 = arith.cmpi ne, %convert_element_type3A_253, %cond3A_254 : i32
      scf.if %cond3A_255 {
        %add3A_316 = arith.constant 2 : i32
        %add3A_317 = arith.addi %mul3A_81, %add3A_316 : i32
        %add3A_318 = arith.constant 3 : i32
        %add3A_319 = arith.addi %add3A_317, %add3A_318 : i32
        %dma_start3A_320 = arith.constant 1 : i32
        %dma_start3A_321 = arith.constant 0 : i32
        %dma_start3A_322 = arith.constant 0 : i32
        %dma_start3A_323 = tpu.memref_slice %arg6[%dma_start3A_320, %dma_start3A_321, %dma_start3A_322] : memref<4x200x64xf32, #tpu.memory_space<vmem>> -> memref<1x104x64xf32, #tpu.memory_space<vmem>>
        %dma_start3A_324 = tpu.memref_squeeze %dma_start3A_323 : memref<1x104x64xf32, #tpu.memory_space<vmem>> -> memref<104x64xf32, #tpu.memory_space<vmem>>
        %dma_start3A_325 = arith.constant 0 : i32
        %dma_start3A_326 = tpu.memref_slice %arg5[%add3A_319, %dma_start3A_325] : memref<128x200xi32, #tpu.memory_space<vmem>> -> memref<1x104xi32, #tpu.memory_space<vmem>>
        %dma_start3A_327 = tpu.memref_squeeze %dma_start3A_326 : memref<1x104xi32, #tpu.memory_space<vmem>> -> memref<104xi32, #tpu.memory_space<vmem>>
        %dma_start3A_328 = arith.constant 0 : i32
        %dma_start3A_329 = arith.constant 0 : i32
        %dma_start3A_330 = tpu.memref_slice %arg3[%dma_start3A_328, %dma_start3A_329] : memref<1048576x64xf32, #tpu.memory_space<hbm>> -> memref<1048576x64xf32, #tpu.memory_space<hbm>>
        tpu.enqueue_indirect_dma source(%dma_start3A_330 : memref<1048576x64xf32, #tpu.memory_space<hbm>>) target(%dma_start3A_324 : memref<104x64xf32, #tpu.memory_space<vmem>>) offsets(%dma_start3A_327 : memref<104xi32, #tpu.memory_space<vmem>>) semaphore(%arg9 : memref<!tpu.dma_semaphore, #tpu.memory_space<semaphore_mem>>)
        %dma_start3A_331 = arith.constant 1 : i32
        %dma_start3A_332 = arith.constant 104 : i32
        %dma_start3A_333 = arith.constant 0 : i32
        %dma_start3A_334 = tpu.memref_slice %arg6[%dma_start3A_331, %dma_start3A_332, %dma_start3A_333] : memref<4x200x64xf32, #tpu.memory_space<vmem>> -> memref<1x96x64xf32, #tpu.memory_space<vmem>>
        %dma_start3A_335 = tpu.memref_squeeze %dma_start3A_334 : memref<1x96x64xf32, #tpu.memory_space<vmem>> -> memref<96x64xf32, #tpu.memory_space<vmem>>
        %dma_start3A_336 = arith.constant 104 : i32
        %dma_start3A_337 = tpu.memref_slice %arg5[%add3A_319, %dma_start3A_336] : memref<128x200xi32, #tpu.memory_space<vmem>> -> memref<1x96xi32, #tpu.memory_space<vmem>>
        %dma_start3A_338 = tpu.memref_squeeze %dma_start3A_337 : memref<1x96xi32, #tpu.memory_space<vmem>> -> memref<96xi32, #tpu.memory_space<vmem>>
        %dma_start3A_339 = arith.constant 0 : i32
        %dma_start3A_340 = arith.constant 0 : i32
        %dma_start3A_341 = tpu.memref_slice %arg3[%dma_start3A_339, %dma_start3A_340] : memref<1048576x64xf32, #tpu.memory_space<hbm>> -> memref<1048576x64xf32, #tpu.memory_space<hbm>>
        tpu.enqueue_indirect_dma source(%dma_start3A_341 : memref<1048576x64xf32, #tpu.memory_space<hbm>>) target(%dma_start3A_335 : memref<96x64xf32, #tpu.memory_space<vmem>>) offsets(%dma_start3A_338 : memref<96xi32, #tpu.memory_space<vmem>>) semaphore(%arg9 : memref<!tpu.dma_semaphore, #tpu.memory_space<semaphore_mem>>)
      } else {
      }
      %dma_wait3A_256 = arith.constant 3 : i32
      %dma_wait3A_257 = arith.constant 0 : i32
      %dma_wait3A_258 = arith.constant 0 : i32
      %dma_wait3A_259 = tpu.memref_slice %arg6[%dma_wait3A_256, %dma_wait3A_257, %dma_wait3A_258] : memref<4x200x64xf32, #tpu.memory_space<vmem>> -> memref<1x200x64xf32, #tpu.memory_space<vmem>>
      %dma_wait3A_260 = tpu.memref_squeeze %dma_wait3A_259 : memref<1x200x64xf32, #tpu.memory_space<vmem>> -> memref<200x64xf32, #tpu.memory_space<vmem>>
      %dma_wait3A_261 = arith.constant 0 : i32
      %dma_wait3A_262 = arith.constant 0 : i32
      %dma_wait3A_263 = tpu.memref_slice %arg3[%dma_wait3A_261, %dma_wait3A_262] : memref<1048576x64xf32, #tpu.memory_space<hbm>> -> memref<200x64xf32, #tpu.memory_space<hbm>>
      %dma_wait3A_264 = arith.constant 0 : i32
      %dma_wait3A_265 = arith.constant 0 : i32
      %dma_wait3A_266 = tpu.memref_slice %arg6[%dma_wait3A_256, %dma_wait3A_264, %dma_wait3A_265] : memref<4x200x64xf32, #tpu.memory_space<vmem>> -> memref<1x200x64xf32, #tpu.memory_space<vmem>>
      %dma_wait3A_267 = tpu.memref_squeeze %dma_wait3A_266 : memref<1x200x64xf32, #tpu.memory_space<vmem>> -> memref<200x64xf32, #tpu.memory_space<vmem>>
      %dma_wait3A_268 = arith.constant 0 : i32
      %dma_wait3A_269 = arith.constant 0 : i32
      %dma_wait3A_270 = tpu.memref_slice %arg3[%dma_wait3A_268, %dma_wait3A_269] : memref<1048576x64xf32, #tpu.memory_space<hbm>> -> memref<200x64xf32, #tpu.memory_space<hbm>>
      tpu.wait_dma2 semaphore(%arg11 : memref<!tpu.dma_semaphore, #tpu.memory_space<semaphore_mem>>) src(%dma_wait3A_270 : memref<200x64xf32, #tpu.memory_space<hbm>>) dst(%dma_wait3A_267 : memref<200x64xf32, #tpu.memory_space<vmem>>)
      %add3A_271 = arith.constant 3 : i32
      %add3A_272 = arith.addi %mul3A_81, %add3A_271 : i32
      %broadcast_in_dim3A_273 = arith.constant 0.000000e+00 : f32
      %broadcast_in_dim3A_274 = vector.broadcast %broadcast_in_dim3A_273 : f32 to vector<16xf32>
      %broadcast_in_dim3A_275 = arith.constant 0.000000e+00 : f32
      %broadcast_in_dim3A_276 = vector.broadcast %broadcast_in_dim3A_275 : f32 to vector<16xf32>
      %broadcast_in_dim3A_277 = arith.constant 0.000000e+00 : f32
      %broadcast_in_dim3A_278 = vector.broadcast %broadcast_in_dim3A_277 : f32 to vector<16xf32>
      %broadcast_in_dim3A_279 = arith.constant 0.000000e+00 : f32
      %broadcast_in_dim3A_280 = vector.broadcast %broadcast_in_dim3A_279 : f32 to vector<16xf32>
      %scan3A_281 = arith.constant 0 : i32
      %scan3A_282 = arith.constant 200 : i32
      %scan3A_283 = arith.addi %scan3A_281, %scan3A_282 : i32
      %scan3A_284 = arith.constant 1 : i32
      %scan3A_285:4 = scf.for %scan3A_316 = %scan3A_281 to %scan3A_283 step %scan3A_284 iter_args(%scan3A_317 = %broadcast_in_dim3A_274, %scan3A_318 = %broadcast_in_dim3A_276, %scan3A_319 = %broadcast_in_dim3A_278, %scan3A_320 = %broadcast_in_dim3A_280) -> (vector<16xf32>, vector<16xf32>, vector<16xf32>, vector<16xf32>)  : i32 {
        %get3A = arith.constant 3 : i32
        %get3A_321 = arith.index_cast %get3A : i32 to index
        %get3A_322 = arith.index_cast %scan3A_316 : i32 to index
        %get3A_323 = arith.constant 0 : index
        %get3A_324 = tpu.vector_load %arg6[%get3A_321, %get3A_322, %get3A_323] {strides = array<i32>} : memref<4x200x64xf32, #tpu.memory_space<vmem>>, vector<1x1x16xf32>,
        %get3A_325 = vector.shape_cast %get3A_324 : vector<1x1x16xf32> to vector<16xf32>
        %add3A_326 = arith.addf %scan3A_317, %get3A_325 : vector<16xf32>
        %get3A_327 = arith.constant 3 : i32
        %get3A_328 = arith.index_cast %get3A_327 : i32 to index
        %get3A_329 = arith.index_cast %scan3A_316 : i32 to index
        %get3A_330 = arith.constant 16 : index
        %get3A_331 = tpu.vector_load %arg6[%get3A_328, %get3A_329, %get3A_330] {strides = array<i32>} : memref<4x200x64xf32, #tpu.memory_space<vmem>>, vector<1x1x16xf32>,
        %get3A_332 = vector.shape_cast %get3A_331 : vector<1x1x16xf32> to vector<16xf32>
        %add3A_333 = arith.addf %scan3A_318, %get3A_332 : vector<16xf32>
        %get3A_334 = arith.constant 3 : i32
        %get3A_335 = arith.index_cast %get3A_334 : i32 to index
        %get3A_336 = arith.index_cast %scan3A_316 : i32 to index
        %get3A_337 = arith.constant 32 : index
        %get3A_338 = tpu.vector_load %arg6[%get3A_335, %get3A_336, %get3A_337] {strides = array<i32>} : memref<4x200x64xf32, #tpu.memory_space<vmem>>, vector<1x1x16xf32>,
        %get3A_339 = vector.shape_cast %get3A_338 : vector<1x1x16xf32> to vector<16xf32>
        %add3A_340 = arith.addf %scan3A_319, %get3A_339 : vector<16xf32>
        %get3A_341 = arith.constant 3 : i32
        %get3A_342 = arith.index_cast %get3A_341 : i32 to index
        %get3A_343 = arith.index_cast %scan3A_316 : i32 to index
        %get3A_344 = arith.constant 48 : index
        %get3A_345 = tpu.vector_load %arg6[%get3A_342, %get3A_343, %get3A_344] {strides = array<i32>} : memref<4x200x64xf32, #tpu.memory_space<vmem>>, vector<1x1x16xf32>,
        %get3A_346 = vector.shape_cast %get3A_345 : vector<1x1x16xf32> to vector<16xf32>
        %add3A_347 = arith.addf %scan3A_320, %get3A_346 : vector<16xf32>
        scf.yield %add3A_326, %add3A_333, %add3A_340, %add3A_347 : vector<16xf32>, vector<16xf32>, vector<16xf32>, vector<16xf32>
      }
      %scan3A_286 = arith.constant 200 : i32
      %swap3A_287 = arith.index_cast %add3A_272 : i32 to index
      %swap3A_288 = arith.constant 0 : index
      %swap3A_289 = tpu.vector_load %arg7[%swap3A_287, %swap3A_288] {strides = array<i32>} : memref<128x64xf32, #tpu.memory_space<vmem>>, vector<1x16xf32>,
      %swap3A_290 = vector.shape_cast %swap3A_289 : vector<1x16xf32> to vector<16xf32>
      %swap3A_291 = vector.shape_cast %scan3A_285#0 : vector<16xf32> to vector<1x16xf32>
      tpu.vector_store %arg7[%swap3A_287, %swap3A_288], %swap3A_291 {strides = array<i32>} : memref<128x64xf32, #tpu.memory_space<vmem>>, vector<1x16xf32>,
      %swap3A_292 = arith.index_cast %add3A_272 : i32 to index
      %swap3A_293 = arith.constant 16 : index
      %swap3A_294 = tpu.vector_load %arg7[%swap3A_292, %swap3A_293] {strides = array<i32>} : memref<128x64xf32, #tpu.memory_space<vmem>>, vector<1x16xf32>,
      %swap3A_295 = vector.shape_cast %swap3A_294 : vector<1x16xf32> to vector<16xf32>
      %swap3A_296 = vector.shape_cast %scan3A_285#1 : vector<16xf32> to vector<1x16xf32>
      tpu.vector_store %arg7[%swap3A_292, %swap3A_293], %swap3A_296 {strides = array<i32>} : memref<128x64xf32, #tpu.memory_space<vmem>>, vector<1x16xf32>,
      %swap3A_297 = arith.index_cast %add3A_272 : i32 to index
      %swap3A_298 = arith.constant 32 : index
      %swap3A_299 = tpu.vector_load %arg7[%swap3A_297, %swap3A_298] {strides = array<i32>} : memref<128x64xf32, #tpu.memory_space<vmem>>, vector<1x16xf32>,
      %swap3A_300 = vector.shape_cast %swap3A_299 : vector<1x16xf32> to vector<16xf32>
      %swap3A_301 = vector.shape_cast %scan3A_285#2 : vector<16xf32> to vector<1x16xf32>
      tpu.vector_store %arg7[%swap3A_297, %swap3A_298], %swap3A_301 {strides = array<i32>} : memref<128x64xf32, #tpu.memory_space<vmem>>, vector<1x16xf32>,
      %swap3A_302 = arith.index_cast %add3A_272 : i32 to index
      %swap3A_303 = arith.constant 48 : index
      %swap3A_304 = tpu.vector_load %arg7[%swap3A_302, %swap3A_303] {strides = array<i32>} : memref<128x64xf32, #tpu.memory_space<vmem>>, vector<1x16xf32>,
      %swap3A_305 = vector.shape_cast %swap3A_304 : vector<1x16xf32> to vector<16xf32>
      %swap3A_306 = vector.shape_cast %scan3A_285#3 : vector<16xf32> to vector<1x16xf32>
      tpu.vector_store %arg7[%swap3A_302, %swap3A_303], %swap3A_306 {strides = array<i32>} : memref<128x64xf32, #tpu.memory_space<vmem>>, vector<1x16xf32>,
      %add3A_307 = arith.constant 3 : i32
      %add3A_308 = arith.addi %mul3A_81, %add3A_307 : i32
      %add3A_309 = arith.constant 3 : i32
      %add3A_310 = arith.addi %add3A_308, %add3A_309 : i32
      %lt3A_311 = arith.constant 128 : i32
      %lt3A_312 = arith.cmpi slt, %add3A_310, %lt3A_311 : i32
      %convert_element_type3A_313 = arith.extui %lt3A_312 : i1 to i32
      %cond3A_314 = arith.constant 0 : i32
      %cond3A_315 = arith.cmpi ne, %convert_element_type3A_313, %cond3A_314 : i32
      scf.if %cond3A_315 {
        %add3A_316 = arith.constant 3 : i32
        %add3A_317 = arith.addi %mul3A_81, %add3A_316 : i32
        %add3A_318 = arith.constant 3 : i32
        %add3A_319 = arith.addi %add3A_317, %add3A_318 : i32
        %dma_start3A_320 = arith.constant 2 : i32
        %dma_start3A_321 = arith.constant 0 : i32
        %dma_start3A_322 = arith.constant 0 : i32
        %dma_start3A_323 = tpu.memref_slice %arg6[%dma_start3A_320, %dma_start3A_321, %dma_start3A_322] : memref<4x200x64xf32, #tpu.memory_space<vmem>> -> memref<1x104x64xf32, #tpu.memory_space<vmem>>
        %dma_start3A_324 = tpu.memref_squeeze %dma_start3A_323 : memref<1x104x64xf32, #tpu.memory_space<vmem>> -> memref<104x64xf32, #tpu.memory_space<vmem>>
        %dma_start3A_325 = arith.constant 0 : i32
        %dma_start3A_326 = tpu.memref_slice %arg5[%add3A_319, %dma_start3A_325] : memref<128x200xi32, #tpu.memory_space<vmem>> -> memref<1x104xi32, #tpu.memory_space<vmem>>
        %dma_start3A_327 = tpu.memref_squeeze %dma_start3A_326 : memref<1x104xi32, #tpu.memory_space<vmem>> -> memref<104xi32, #tpu.memory_space<vmem>>
        %dma_start3A_328 = arith.constant 0 : i32
        %dma_start3A_329 = arith.constant 0 : i32
        %dma_start3A_330 = tpu.memref_slice %arg3[%dma_start3A_328, %dma_start3A_329] : memref<1048576x64xf32, #tpu.memory_space<hbm>> -> memref<1048576x64xf32, #tpu.memory_space<hbm>>
        tpu.enqueue_indirect_dma source(%dma_start3A_330 : memref<1048576x64xf32, #tpu.memory_space<hbm>>) target(%dma_start3A_324 : memref<104x64xf32, #tpu.memory_space<vmem>>) offsets(%dma_start3A_327 : memref<104xi32, #tpu.memory_space<vmem>>) semaphore(%arg10 : memref<!tpu.dma_semaphore, #tpu.memory_space<semaphore_mem>>)
        %dma_start3A_331 = arith.constant 2 : i32
        %dma_start3A_332 = arith.constant 104 : i32
        %dma_start3A_333 = arith.constant 0 : i32
        %dma_start3A_334 = tpu.memref_slice %arg6[%dma_start3A_331, %dma_start3A_332, %dma_start3A_333] : memref<4x200x64xf32, #tpu.memory_space<vmem>> -> memref<1x96x64xf32, #tpu.memory_space<vmem>>
        %dma_start3A_335 = tpu.memref_squeeze %dma_start3A_334 : memref<1x96x64xf32, #tpu.memory_space<vmem>> -> memref<96x64xf32, #tpu.memory_space<vmem>>
        %dma_start3A_336 = arith.constant 104 : i32
        %dma_start3A_337 = tpu.memref_slice %arg5[%add3A_319, %dma_start3A_336] : memref<128x200xi32, #tpu.memory_space<vmem>> -> memref<1x96xi32, #tpu.memory_space<vmem>>
        %dma_start3A_338 = tpu.memref_squeeze %dma_start3A_337 : memref<1x96xi32, #tpu.memory_space<vmem>> -> memref<96xi32, #tpu.memory_space<vmem>>
        %dma_start3A_339 = arith.constant 0 : i32
        %dma_start3A_340 = arith.constant 0 : i32
        %dma_start3A_341 = tpu.memref_slice %arg3[%dma_start3A_339, %dma_start3A_340] : memref<1048576x64xf32, #tpu.memory_space<hbm>> -> memref<1048576x64xf32, #tpu.memory_space<hbm>>
        tpu.enqueue_indirect_dma source(%dma_start3A_341 : memref<1048576x64xf32, #tpu.memory_space<hbm>>) target(%dma_start3A_335 : memref<96x64xf32, #tpu.memory_space<vmem>>) offsets(%dma_start3A_338 : memref<96xi32, #tpu.memory_space<vmem>>) semaphore(%arg10 : memref<!tpu.dma_semaphore, #tpu.memory_space<semaphore_mem>>)
      } else {
      }
    }
    %scan3A_78 = arith.constant 32 : i32
    "tpu.region"() ({
      %run_scoped3A = tpu.sem_alloc : memref<!tpu.dma_semaphore, #tpu.memory_space<semaphore_mem>>
      %dma_start3A_79 = arith.constant 0 : i32
      %dma_start3A_80 = tpu.memref_slice %arg4[%mul3A_2, %dma_start3A_79] : memref<4096x64xf32, #tpu.memory_space<hbm>> -> memref<128x64xf32, #tpu.memory_space<hbm>>
      %dma_start3A_81 = arith.constant 0 : i32
      %dma_start3A_82 = tpu.memref_slice %arg4[%mul3A_2, %dma_start3A_81] : memref<4096x64xf32, #tpu.memory_space<hbm>> -> memref<128x64xf32, #tpu.memory_space<hbm>>
      tpu.enqueue_dma source(%arg7 : memref<128x64xf32, #tpu.memory_space<vmem>>) target(%dma_start3A_82 : memref<128x64xf32, #tpu.memory_space<hbm>>) target_semaphore(%run_scoped3A : memref<!tpu.dma_semaphore, #tpu.memory_space<semaphore_mem>>)
      %dma_wait3A = arith.constant 0 : i32
      %dma_wait3A_83 = tpu.memref_slice %arg4[%mul3A_2, %dma_wait3A] : memref<4096x64xf32, #tpu.memory_space<hbm>> -> memref<128x64xf32, #tpu.memory_space<hbm>>
      %dma_wait3A_84 = arith.constant 0 : i32
      %dma_wait3A_85 = tpu.memref_slice %arg4[%mul3A_2, %dma_wait3A_84] : memref<4096x64xf32, #tpu.memory_space<hbm>> -> memref<128x64xf32, #tpu.memory_space<hbm>>
      tpu.wait_dma2 semaphore(%run_scoped3A : memref<!tpu.dma_semaphore, #tpu.memory_space<semaphore_mem>>) src(%arg7 : memref<128x64xf32, #tpu.memory_space<vmem>>) dst(%dma_wait3A_85 : memref<128x64xf32, #tpu.memory_space<hbm>>)
      tpu.yield
    }) : () -> ()
    return
  }
}

module attributes {stable_mosaic.version = 14 : i64} {
  func.func @body(%arg0: i32, %arg1: memref<64x16384xf32, #tpu.memory_space<vmem>>, %arg2: memref<64x16384xf32, #tpu.memory_space<vmem>>, %arg3: memref<64x64xf32, #tpu.memory_space<vmem>>, %arg4: memref<16384x128xf32, #tpu.memory_space<vmem>>) attributes {dimension_semantics = [#tpu.dimension_semantics<arbitrary>], iteration_bounds = array<i64: 32>, scalar_prefetch = 0 : i64, scratch_operands = 0 : i64, tpu.core_type = #tpu.core_type<tc>, window_params = [{transform_indices = @transform_0, window_bounds = array<i64: 64, 16384>}, {transform_indices = @transform_1, window_bounds = array<i64: 64, 16384>}, {pipeline_mode = #tpu.pipeline_mode<synchronous>, transform_indices = @transform_2, window_bounds = array<i64: 64, 64>}, {transform_indices = @transform_3, window_bounds = array<i64: 16384, 128>}]} {
    %get3A = arith.constant 0 : index
    %get3A_0 = arith.constant 0 : index
    %get3A_1 = vector.load %arg3[%get3A, %get3A_0] : memref<64x64xf32, #tpu.memory_space<vmem>>, vector<64x64xf32>
    %get3A_2 = arith.constant 0 : index
    %get3A_3 = arith.constant 0 : index
    %get3A_4 = vector.load %arg1[%get3A_2, %get3A_3] : memref<64x16384xf32, #tpu.memory_space<vmem>>, vector<64x16384xf32>
    %dot_general3A = arith.constant dense<0.000000e+00> : vector<16384x64xf32>
    %dot_general3A_5 = tpu.matmul %get3A_4, %get3A_1, %dot_general3A {dimension_numbers = #tpu.dot_dimension_numbers<[0], [0], [1], [1], [0, 1, 1, 1], [], []>, transpose_lhs_hint = false} : vector<64x16384xf32>, vector<64x64xf32>, vector<16384x64xf32> -> vector<16384x64xf32>
    %get3A_6 = arith.constant 0 : index
    %get3A_7 = arith.constant 0 : index
    %get3A_8 = vector.load %arg2[%get3A_6, %get3A_7] : memref<64x16384xf32, #tpu.memory_space<vmem>>, vector<64x16384xf32>
    %dot_general3A_9 = arith.constant dense<0.000000e+00> : vector<16384x64xf32>
    %dot_general3A_10 = tpu.matmul %get3A_8, %get3A_1, %dot_general3A_9 {dimension_numbers = #tpu.dot_dimension_numbers<[0], [0], [1], [1], [0, 1, 1, 1], [], []>, transpose_lhs_hint = false} : vector<64x16384xf32>, vector<64x64xf32>, vector<16384x64xf32> -> vector<16384x64xf32>
    %concatenate3A = tpu.concatenate %dot_general3A_5, %dot_general3A_10 in 1 : vector<16384x64xf32>, vector<16384x64xf32> -> vector<16384x128xf32>
    %swap3A = arith.constant 0 : index
    %swap3A_11 = arith.constant 0 : index
    %swap3A_12 = vector.load %arg4[%swap3A, %swap3A_11] : memref<16384x128xf32, #tpu.memory_space<vmem>>, vector<16384x128xf32>
    tpu.vector_store %arg4[%swap3A, %swap3A_11], %concatenate3A {strides = array<i32>} : memref<16384x128xf32, #tpu.memory_space<vmem>>, vector<16384x128xf32>,
    return
  }
  func.func @transform_0(%arg0: i32) -> (i32, i32) {
    %c0_i32 = arith.constant 0 : i32
    %c0_i32_0 = arith.constant 0 : i32
    return %c0_i32, %arg0 : i32, i32
  }
  func.func @transform_1(%arg0: i32) -> (i32, i32) {
    %add3A = arith.constant 32 : i32
    %add3A_0 = arith.addi %add3A, %arg0 : i32
    %min3A = arith.constant 61 : i32
    %min3A_1 = arith.minsi %add3A_0, %min3A : i32
    %c0_i32 = arith.constant 0 : i32
    %c0_i32_2 = arith.constant 0 : i32
    return %c0_i32, %min3A_1 : i32, i32
  }
  func.func @transform_2(%arg0: i32) -> (i32, i32) {
    %c0_i32 = arith.constant 0 : i32
    %c0_i32_0 = arith.constant 0 : i32
    %c0_i32_1 = arith.constant 0 : i32
    return %c0_i32, %c0_i32_0 : i32, i32
  }
  func.func @transform_3(%arg0: i32) -> (i32, i32) {
    %c0_i32 = arith.constant 0 : i32
    %c0_i32_0 = arith.constant 0 : i32
    return %arg0, %c0_i32 : i32, i32
  }
}

module attributes {stable_mosaic.version = 14 : i64} {
  func.func @body(%arg0: memref<4096x64xf32, #tpu.memory_space<vmem>>, %arg1: memref<4096x200xi32, #tpu.memory_space<vmem>>, %arg2: memref<64x64xf32, #tpu.memory_space<vmem>>, %arg3: memref<1x64xf32, #tpu.memory_space<vmem>>, %arg4: memref<1x64xf32, #tpu.memory_space<vmem>>, %arg5: memref<1x64xf32, #tpu.memory_space<vmem>>, %arg6: memref<4096x64xf32, #tpu.memory_space<vmem>>) attributes {dimension_semantics = [], scalar_prefetch = 0 : i64, scratch_operands = 0 : i64, tpu.core_type = #tpu.core_type<tc>} {
    %get3A = arith.constant 0 : index
    %get3A_0 = arith.constant 0 : index
    %get3A_1 = vector.load %arg1[%get3A, %get3A_0] : memref<4096x200xi32, #tpu.memory_space<vmem>>, vector<4096x200xi32>
    %ne3A = arith.constant 0 : i32
    %ne3A_2 = vector.broadcast %ne3A : i32 to vector<4096x200xi32>
    %ne3A_3 = arith.cmpi ne, %get3A_1, %ne3A_2 : vector<4096x200xi32>
    %convert_element_type3A = arith.extui %ne3A_3 : vector<4096x200xi1> to vector<4096x200xi32>
    %convert_element_type3A_4 = arith.sitofp %convert_element_type3A : vector<4096x200xi32> to vector<4096x200xf32>
    %reduce_sum3A = arith.constant dense<0.000000e+00> : vector<4096xf32>
    %reduce_sum3A_5 = vector.multi_reduction <add>, %convert_element_type3A_4, %reduce_sum3A [1] : vector<4096x200xf32> to vector<4096xf32>
    %broadcast_in_dim3A = vector.shape_cast %reduce_sum3A_5 : vector<4096xf32> to vector<4096x1xf32>
    %max3A = arith.constant 1.000000e+00 : f32
    %max3A_6 = vector.broadcast %max3A : f32 to vector<4096x1xf32>
    %max3A_7 = arith.maximumf %broadcast_in_dim3A, %max3A_6 : vector<4096x1xf32>
    %get3A_8 = arith.constant 0 : index
    %get3A_9 = arith.constant 0 : index
    %get3A_10 = vector.load %arg0[%get3A_8, %get3A_9] : memref<4096x64xf32, #tpu.memory_space<vmem>>, vector<4096x64xf32>
    %div3A = vector.broadcast %max3A_7 : vector<4096x1xf32> to vector<4096x64xf32>
    %div3A_11 = arith.divf %get3A_10, %div3A : vector<4096x64xf32>
    %get3A_12 = arith.constant 0 : index
    %get3A_13 = arith.constant 0 : index
    %get3A_14 = vector.load %arg2[%get3A_12, %get3A_13] : memref<64x64xf32, #tpu.memory_space<vmem>>, vector<64x64xf32>
    %dot_general3A = arith.constant dense<0.000000e+00> : vector<4096x64xf32>
    %dot_general3A_15 = tpu.matmul %div3A_11, %get3A_14, %dot_general3A {dimension_numbers = #tpu.dot_dimension_numbers<[1], [0], [0], [1], [0, 0, 1, 1], [], []>, transpose_lhs_hint = false} : vector<4096x64xf32>, vector<64x64xf32>, vector<4096x64xf32> -> vector<4096x64xf32>
    %get3A_16 = arith.constant 0 : index
    %get3A_17 = arith.constant 0 : index
    %get3A_18 = vector.load %arg3[%get3A_16, %get3A_17] : memref<1x64xf32, #tpu.memory_space<vmem>>, vector<1x64xf32>
    %add3A = vector.broadcast %get3A_18 : vector<1x64xf32> to vector<4096x64xf32>
    %add3A_19 = arith.addf %dot_general3A_15, %add3A : vector<4096x64xf32>
    %reduce_sum3A_20 = arith.constant dense<0.000000e+00> : vector<4096xf32>
    %reduce_sum3A_21 = vector.multi_reduction <add>, %add3A_19, %reduce_sum3A_20 [1] : vector<4096x64xf32> to vector<4096xf32>
    %broadcast_in_dim3A_22 = vector.shape_cast %reduce_sum3A_21 : vector<4096xf32> to vector<4096x1xf32>
    %div3A_23 = arith.constant 6.400000e+01 : f32
    %div3A_24 = vector.broadcast %div3A_23 : f32 to vector<4096x1xf32>
    %div3A_25 = arith.divf %broadcast_in_dim3A_22, %div3A_24 : vector<4096x1xf32>
    %sub3A = vector.broadcast %div3A_25 : vector<4096x1xf32> to vector<4096x64xf32>
    %sub3A_26 = arith.subf %add3A_19, %sub3A : vector<4096x64xf32>
    %square3A = arith.mulf %sub3A_26, %sub3A_26 : vector<4096x64xf32>
    %reduce_sum3A_27 = arith.constant dense<0.000000e+00> : vector<4096xf32>
    %reduce_sum3A_28 = vector.multi_reduction <add>, %square3A, %reduce_sum3A_27 [1] : vector<4096x64xf32> to vector<4096xf32>
    %broadcast_in_dim3A_29 = vector.shape_cast %reduce_sum3A_28 : vector<4096xf32> to vector<4096x1xf32>
    %div3A_30 = arith.constant 6.400000e+01 : f32
    %div3A_31 = vector.broadcast %div3A_30 : f32 to vector<4096x1xf32>
    %div3A_32 = arith.divf %broadcast_in_dim3A_29, %div3A_31 : vector<4096x1xf32>
    %sub3A_33 = vector.broadcast %div3A_25 : vector<4096x1xf32> to vector<4096x64xf32>
    %sub3A_34 = arith.subf %add3A_19, %sub3A_33 : vector<4096x64xf32>
    %add3A_35 = arith.constant 9.99999974E-6 : f32
    %add3A_36 = vector.broadcast %add3A_35 : f32 to vector<4096x1xf32>
    %add3A_37 = arith.addf %div3A_32, %add3A_36 : vector<4096x1xf32>
    %rsqrt3A = math.rsqrt %add3A_37 : vector<4096x1xf32>
    %mul3A = vector.broadcast %rsqrt3A : vector<4096x1xf32> to vector<4096x64xf32>
    %mul3A_38 = arith.mulf %sub3A_34, %mul3A : vector<4096x64xf32>
    %get3A_39 = arith.constant 0 : index
    %get3A_40 = arith.constant 0 : index
    %get3A_41 = vector.load %arg4[%get3A_39, %get3A_40] : memref<1x64xf32, #tpu.memory_space<vmem>>, vector<1x64xf32>
    %mul3A_42 = vector.broadcast %get3A_41 : vector<1x64xf32> to vector<4096x64xf32>
    %mul3A_43 = arith.mulf %mul3A_38, %mul3A_42 : vector<4096x64xf32>
    %get3A_44 = arith.constant 0 : index
    %get3A_45 = arith.constant 0 : index
    %get3A_46 = vector.load %arg5[%get3A_44, %get3A_45] : memref<1x64xf32, #tpu.memory_space<vmem>>, vector<1x64xf32>
    %add3A_47 = vector.broadcast %get3A_46 : vector<1x64xf32> to vector<4096x64xf32>
    %add3A_48 = arith.addf %mul3A_43, %add3A_47 : vector<4096x64xf32>
    %mul3A_49 = arith.constant 5.000000e-01 : f32
    %mul3A_50 = vector.broadcast %mul3A_49 : f32 to vector<4096x64xf32>
    %mul3A_51 = arith.mulf %mul3A_50, %add3A_48 : vector<4096x64xf32>
    %mul3A_52 = arith.constant 0.707106769 : f32
    %mul3A_53 = vector.broadcast %mul3A_52 : f32 to vector<4096x64xf32>
    %mul3A_54 = arith.mulf %add3A_48, %mul3A_53 : vector<4096x64xf32>
    %erf3A = math.erf %mul3A_54 : vector<4096x64xf32>
    %add3A_55 = arith.constant 1.000000e+00 : f32
    %add3A_56 = vector.broadcast %add3A_55 : f32 to vector<4096x64xf32>
    %add3A_57 = arith.addf %add3A_56, %erf3A : vector<4096x64xf32>
    %mul3A_58 = arith.mulf %mul3A_51, %add3A_57 : vector<4096x64xf32>
    %swap3A = arith.constant 0 : index
    %swap3A_59 = arith.constant 0 : index
    %swap3A_60 = vector.load %arg6[%swap3A, %swap3A_59] : memref<4096x64xf32, #tpu.memory_space<vmem>>, vector<4096x64xf32>
    tpu.vector_store %arg6[%swap3A, %swap3A_59], %mul3A_58 {strides = array<i32>} : memref<4096x64xf32, #tpu.memory_space<vmem>>, vector<4096x64xf32>,
    return
  }
}

</mosaic_0001>

<sc_bundles>
// kernel: kernel.5.cloned.1.call-start
scs
__scs_entry_jumppad:
0x0: {  	(pc) =	sbr.rel $0x88, $3  }
0x1: {  	(tag) =	ssettag $0x0;
	lr =	simm.s32 $0x1  }
0x2: {  	[smem:$0x3F9B] =	sst lr;
	_ =	strace $0xD0000000  }
0x3: {  	_ = 	snop  }
0x4: {  	_ = 	snop  }
0x5: {  	_ = 	snop  }
0x6: {  	_ = 	snop  }
0x7: {  	_ = 	snop  }
__scs_overlays_trampoline_lowered:
0x8: {  	[smem:$0x3FAA] =	sst s0  }
0x9: {  	[smem:$0x3FAB] =	sst s1  }
0xa: {  	[smem:$0x3FAC] =	sst s2  }
0xb: {  	[smem:$0x3FAD] =	sst s3  }
0xc: {  	[smem:$0x3FAE] =	sst s4  }
0xd: {  	[smem:$0x3FAF] =	sst s5  }
0xe: {  	[smem:$0x3FB0] =	sst s6  }
0xf: {  	[smem:$0x3FB1] =	sst s7  }
0x10: {  	[smem:$0x3FB2] =	sst s8  }
0x11: {  	[smem:$0x3FB3] =	sst s9;
	s0 =	simm.s32 @!p0 $0x0  }
0x12: {  	s1 =	sld [smem:$0x3F99];
	s0 =	simm.s32 @p0 $0x1  }
0x13: {  	[smem:$0x3FB4] =	sst s0;
	s0 =	simm.s32 @!p1 $0x0  }
0x14: {  	s2 =	sld [smem:$0x3F98];
	s0 =	simm.s32 @p1 $0x1  }
0x15: {  	[smem:$0x3FB5] =	sst s0;
	s0 =	simm.s32 @!p2 $0x0  }
0x16: {  	s3 =	sld [smem:$0x3FDB];
	s0 =	simm.s32 @p2 $0x1  }
0x17: {  	s4 =	simm.s32 $0x1BF5;
	[smem:$0x3FB7] =	sst s0  }
0x18: {  	s0 =	sld [smem:$0x3F9A];
	_ =	swait.ge [sflag:s4], $0x0  }
0x19: {  	s7 =	sld [smem:$0x3F9B]  }
0x1a: {  	s8 =	sadd.s32 $0xFFFFE003, lr  }
0x1b: {  	s9 =	sadd.s32 $0xFFFFFEF7, lr;
	s5 =	simm.s32 $0xFFFFFFFF;
	p2 =	slt.u32 s8, $0xFFFFF086  }
0x1c: {  	p1 =	slt.u32 s9, $0xF7A;
	s5 =	simm.s32 @!p2 $0x0  }
0x1d: {  	s5 =	simm.s32 @p1 $0x1;
	p0 =	seq.s32 s7, s2  }
0x1e: {  	s7 =	smul.u32 @!p0 $0xF7A, s2;
	p2 =	seq.s32 @!p0 s5, $0x0  }
0x1f: {  	s9 =	smul.u32 $0xF7A, s1;
	s8 =	simm.s32 @!p0 $0x1BF5;
	p2 =	por !p2, p0  }
0x20: {  	[sflag:s8] =	ssyncset.s32 @!p0 $0xFFFFF086;
	s6 =	sadd.s32 @!p0 s3, s7;
	s7 =	simm.s32 @!p0 $0x108  }
0x21: {  	s3 =	sadd.s32 s3, s9;
	s6 =	sadd.s32 @!p0 $0x88, s6;
	s7 =	simm.s32 @p2 $0x1082  }
0x22: {  	[simem:s7], [sflag:s8] =	dma.local @!p0 [hbm:s6], $0xF7A  }
0x23: {  	s9 =	sor.u32 $0xD0000000, s2;
	s6 =	simm.s32 $0x108;
	_ =	swait.ge @!p0 [sflag:s8], $0x0  }
0x24: {  	s3 =	sadd.s32 $0x88, s3;
	s6 =	simm.s32 @!p1 $0x1082;
	[sflag:s4] =	ssyncset.s32 $0xFFFFF086  }
0x25: {  	[simem:s6], [sflag:s4] =	dma.local [hbm:s3], $0xF7A  }
0x26: {  	[smem:$0x3F9B] =	sst s1;
	(tag) =	ssettag s2;
	_ =	strace s9  }
0x27: {  	s1 =	sld [smem:$0x3FAB]  }
0x28: {  	s2 =	sld [smem:$0x3FAC]  }
0x29: {  	s4 =	sld [smem:$0x3FAE]  }
0x2a: {  	p0 =	seq.s32 s5, $0x0;
	s5 =	sld [smem:$0x3FAF]  }
0x2b: {  	s6 =	sld [smem:$0x3FB0]  }
0x2c: {  	s7 =	sld [smem:$0x3FB1]  }
0x2d: {  	s3 =	simm.s32 $0x108;
	s8 =	sld [smem:$0x3FB2]  }
0x2e: {  	s3 =	simm.s32 @!p0 $0x1082;
	s9 =	sld [smem:$0x3FB3]  }
0x2f: {  	lr =	sadd.s32 s0, s3;
	s0 =	sld [smem:$0x3FAA]  }
0x30: {  	s3 =	sld [smem:$0x3FAD]  }
0x31: {  	[smem:$0x3FB6] =	sst s10  }
0x32: {  	s10 =	sld [smem:$0x3FB4];
	_ =	sdelay $0x3  }
0x33: {  	p0 =	seq.s32 s10, $0x1;
	s10 =	sld [smem:$0x3FB6];
	_ =	sdelay $0x3  }
0x34: {  	[smem:$0x3FB6] =	sst s10  }
0x35: {  	s10 =	sld [smem:$0x3FB5];
	_ =	sdelay $0x3  }
0x36: {  	p1 =	seq.s32 s10, $0x1;
	s10 =	sld [smem:$0x3FB6];
	_ =	sdelay $0x3  }
0x37: {  	[smem:$0x3FB6] =	sst s10  }
0x38: {  	s10 =	sld [smem:$0x3FB7]  }
0x39: {  	_ = 	snop;
	(pc) =	sbr.ind lr, $3  }
0x3a: {  	_ = 	snop  }
0x3b: {  	_ = 	snop  }
0x3c: {  	p2 =	seq.s32 s10, $0x1;
	s10 =	sld [smem:$0x3FB6]  }
0x3d: {  	_ =	shalt  }
0x3e: {  	_ =	shalt  }
0x3f: {  	_ =	shalt  }
0x40: {  	_ =	shalt  }
0x41: {  	_ =	shalt  }
0x42: {  	_ =	shalt  }
0x43: {  	_ =	shalt  }
0x44: {  	_ =	shalt  }
0x45: {  	_ =	shalt  }
0x46: {  	_ =	shalt  }
0x47: {  	_ =	shalt  }
0x48: {  	_ =	shalt  }
0x49: {  	_ =	shalt  }
0x4a: {  	_ =	shalt  }
0x4b: {  	_ =	shalt  }
0x4c: {  	_ =	shalt  }
0x4d: {  	_ =	shalt  }
0x4e: {  	_ =	shalt  }
0x4f: {  	_ =	shalt  }
0x50: {  	_ =	shalt  }
0x51: {  	_ =	shalt  }
0x52: {  	_ =	shalt  }
0x53: {  	_ =	shalt  }
0x54: {  	_ =	shalt  }
0x55: {  	_ =	shalt  }
0x56: {  	_ =	shalt  }
0x57: {  	_ =	shalt  }
0x58: {  	_ =	shalt  }
0x59: {  	_ =	shalt  }
0x5a: {  	_ =	shalt  }
0x5b: {  	_ =	shalt  }
0x5c: {  	_ =	shalt  }
0x5d: {  	_ =	shalt  }
0x5e: {  	_ =	shalt  }
0x5f: {  	_ =	shalt  }
0x60: {  	_ =	shalt  }
0x61: {  	_ =	shalt  }
0x62: {  	_ =	shalt  }
0x63: {  	_ =	shalt  }
0x64: {  	_ =	shalt  }
0x65: {  	_ =	shalt  }
0x66: {  	_ =	shalt  }
0x67: {  	_ =	shalt  }
0x68: {  	_ =	shalt  }
0x69: {  	_ =	shalt  }
0x6a: {  	_ =	shalt  }
0x6b: {  	_ =	shalt  }
0x6c: {  	_ =	shalt  }
0x6d: {  	_ =	shalt  }
0x6e: {  	_ =	shalt  }
0x6f: {  	_ =	shalt  }
0x70: {  	_ =	shalt  }
0x71: {  	_ =	shalt  }
0x72: {  	_ =	shalt  }
0x73: {  	_ =	shalt  }
0x74: {  	_ =	shalt  }
0x75: {  	_ =	shalt  }
0x76: {  	_ =	shalt  }
0x77: {  	_ =	shalt  }
0x78: {  	_ =	shalt  }
0x79: {  	_ =	shalt  }
0x7a: {  	_ =	shalt  }
0x7b: {  	_ =	shalt  }
0x7c: {  	_ =	shalt  }
0x7d: {  	_ =	shalt  }
0x7e: {  	_ =	shalt  }
0x7f: {  	_ =	shalt  }
0x80: {  	_ =	shalt  }
0x81: {  	_ =	shalt  }
0x82: {  	_ =	shalt  }
0x83: {  	_ =	shalt  }
0x84: {  	_ =	shalt  }
0x85: {  	_ =	shalt  }
0x86: {  	_ =	shalt  }
0x87: {  	_ =	shalt  }
.Lfunc_end0:
.L_simem_size_0:
called_computation_lowered:
.L_overlay_start_0:
0x88: {  	s2 =	sld [smem:$0x3FD9]  }
0x89: {  	s3 =	sld [smem:$0x3FFE];
	_ =	sdelay $0x1  }
0x8a: {  	s1 =	srdreg.scid  }
0x8b: {  	s0 =	sand.u32 $0x1, s1  }
0x8c: {  	s17 =	sshll.u32 s0, $0xA;
	s2 =	sadd.s32 s3, s2  }
0x8d: {  	s2 =	sadd.s32 s2, s17  }
0x8e: {  	[smem:$0x3FC2] =	sst s2  }
0x8f: {  	_ = 	snop  }
0x90: {  	s2 =	sld [smem:$0x3FD0];
	(tm) =	ssettm $0x1  }
0x91: {  	s18 =	sld [smem:$0x3FFB];
	_ =	sdelay $0x3  }
0x92: {  	_ =	strace s18  }
0x93: {  	s3 =	sld [smem:$0x3FFC];
	_ =	sdelay $0x3  }
0x94: {  	_ =	strace s3  }
0x95: {  	s3 =	sld [smem:$0x3FFD];
	_ =	sdelay $0x3  }
0x96: {  	_ =	strace s3  }
0x97: {  	_ =	strace $0x8FFFFFFF  }
0x98: {  	s19 =	sld [smem:$0x3FDB];
	_ =	sdelay $0x1  }
0x99: {  	s4 =	simm.s32 $_scs_section_size  }
0x9a: {  	s5 =	simm.s32 $_size__tile_overlayer_lowered;
	s6 =	simm.s32 $_tile_overlayer_lowered  }
0x9b: {  	s22 =	simm.s32 $0x1BFF;
	s21 =	sshll.u32 s6, $0x1;
	s3 =	sadd.s32 s4, s19  }
0x9c: {  	s7 =	simm.s32 $0x0;
	s20 =	sshll.u32 s5, $0x1;
	s5 =	sadd.s32 s21, s3  }
0x9d: {  	[timem:s7], [sflag:s22] =	dma.local [hbm:s5], s20  }
0x9e: {  	_ =	swait.ge [sflag:s22], s20  }
0x9f: {  	s4 =	ssub.s32 $0x0, s20;
	[sflag:s22] =	ssyncset.done $0x0  }
0xa0: {  	[sflag:s22] =	ssyncadd.s32 s4;
	_ =	sdelay $0x1  }
0xa1: {  	s23 =	simm.s32 $0x1B8B  }
0xa2: {  	_ =	swait.ge [sflag:s23], $0x1  }
0xa3: {  	[sflag:s23] =	ssyncset.done $0x0  }
0xa4: {  	s25 =	simm.s32 $0x1B8E;
	s24 =	sld [smem:$0x3FFE];
	[sflag:s23] =	ssyncadd.s32 $0xFFFFFFFF  }
0xa5: {  	s26 =	simm.s32 $execute0_lowered;
	[smem:$0x3FD2] =	sst s25  }
0xa6: {  	s5 =	sshll.u32 s26, $0x1;
	_ =	strace $0x80000046;
	[dreg:$0x1] =	wrdreg $0xFFFFFFFF  }
0xa7: {  	s28 =	simm.s32 $_size_execute0_lowered;
	s3 =	sadd.s32 s3, s5;
	[dreg:$0x0] =	wrdreg $0x0  }
0xa8: {  	s5 =	sshll.u32 s28, $0x1;
	[dreg:$0x2] =	wrdreg s3  }
0xa9: {  	[dreg:$0x3] =	wrdreg s5  }
0xaa: {  	[dreg:$0x4] =	wrdreg $0xC0  }
0xab: {  	_ =	task [dreg:s7], $0x5FFFF  }
0xac: {  	[dreg:$0x1] =	wrdreg $0xFFFFFFFF  }
0xad: {  	[dreg:$0x0] =	wrdreg $0x60  }
0xae: {  	[dreg:$0x2] =	wrdreg s24  }
0xaf: {  	[dreg:$0x3] =	wrdreg s2  }
0xb0: {  	[dreg:$0x4] =	wrdreg $0x9  }
0xb1: {  	_ =	task.clear_ibuf [dreg:s7], $0x5FFFF;
	_ =	strace $0x90000046  }
0xb2: {  	s29 =	simm.s32 $0x9;
	_ =	strace $0x80000048  }
0xb3: {  	_ =	swait.ge [sflag:s29], $0x1  }
0xb4: {  	[sflag:s29] =	ssyncadd.s32 $0xFFFFFFFF  }
0xb5: {  	_ =	strace $0x90000048  }
0xb6: {  	_ =	sfence  }
0xb7: {  	s30 =	sld [smem:$0x0];
	_ =	sdelay $0x2  }
0xb8: {  	s31 =	sshll.u32 s1, $0xD;
	s1 =	sshrl.u32 s1, $0x2  }
0xb9: {  	s3 =	sand.u32 $0x4000, s31;
	s1 =	sadd.s32 s1, s30  }
0xba: {  	s0 =	sor.u32 s3, s0;
	s1 =	sshll.u32 s1, $0x11  }
0xbb: {  	s0 =	sor.u32 s1, s0  }
0xbc: {  	s0 =	sadd.s32 $0x8F2B, s0  }
0xbd: {  	[sflag:s0] =	ssyncadd.remote.s32 $0x1  }
0xbe: {  	_ =	sfence.sel $0xFFFF  }
0xbf: {  	[dreg:$0x0] =	wrdreg $0xFFFFFFFF;
	(pc) =	sbr.abs _section_cstart, $3  }
0xc0: {  	[dreg:$0x1] =	wrdreg $0xFFFFFFFF  }
0xc1: {  	_ =	task.clear_ibuf [dreg:s7], $0x2FFFF;
	_ =	strace $0x9FFFFFFF  }
0xc2: {  	(tm) =	ssettm $0x7FFFFFFF  }
0xc3: {  	_ =	shalt  }
tec
execute0_lowered:
.L_overlay_start_1:
0x0: {  	(tag) =	ssettag $0x1  }
0x1: {  	s0 =	srdreg.scid;
	s1 =	rddreg [dreg:$0x0]  }
0x2: {  	s2 =	stileid.u32;
	s5 =	rddreg [dreg:$0x1];
	s8 =	simm.s32 $0x68  }
0x3: {  	s10 =	simm.s32 $0x60;
	s12 =	simm.s32 $0xC8;
	s13 =	simm.s32 $0x9600  }
0x4: {  	s14 =	simm.s32 $0x130;
	s15 =	simm.s32 $0xB000;
	s16 =	simm.s32 $0x190  }
0x5: {  	s17 =	simm.s32 $0xC800;
	s18 =	simm.s32 $0x1F8;
	s19 =	simm.s32 $0xE200  }
0x6: {  	s20 =	simm.s32 $0x1;
	s21 =	simm.s32 $0xFA00;
	s22 =	simm.s32 $0x11400  }
0x7: {  	s23 =	simm.s32 $0x2;
	s24 =	simm.s32 $0x3;
	s25 =	simm.s32 $0x4  }
0x8: {  	s26 =	simm.s32 $0x12C00;
	s28 =	simm.s32 $0x0;
	s0 =	sand.u32 $0x1, s0  }
0x9: {  	s2 =	sshll.u32 s2, $0x8;
	s3 =	sshll.u32 s0, $0x7;
	s0 =	ssub.s32 $0x2, s0  }
.Ltmp0:
0xa: {  	s4 =	sor.u32 s3, s2;
	s2 =	simm.s32 $0x0;
	(pc) =	sbr.rel .LBB2_1-.Ltmp0, $4  }
0xb: {  	s7 =	sshrl.u32 s0, $0x1;
	s3 =	smul.u32 $0x19, s4;
	[smem:$0x7FF] =	sst s2  }
0xc: {  	s0 =	ssub.s32 s0, s7;
	s31 =	sshll.u32 s4, $0x3;
	s7 =	simm.s32 $0x5  }
0xd: {  	_ =	strace $0x80000047;
	s5 =	sadd.s32 s5, s31;
	s6 =	sadd.s32 s3, s1  }
0xe: {  	s3 =	sadd.s32 $0x3A000, s1;
	s4 =	sadd.s32 $0x21000, s6;
	s6 =	smax.u32 s0, $0x1  }
.LBB2_12:
0xf: {  	s28 =	sadd.s32 $0x1, s28  }
0x10: {  	p0 =	sne.s32 s28, s6  }
.Ltmp1:
0x11: {  	_ = 	snop;
	(pc) =	sbr.rel @!p0 .LBB2_13-.Ltmp1, $4  }
0x12: {  	[hbm4b:s5+s2] =	stream.linear.scatter [tilespmem:s26], [sflag:$0x5], $0x2000, $0x38;
	[tilespmem:$0x14C00] =	vst v63  }
0x13: {  	_ =	swait.ge [sflag:s7], $0x2000  }
0x14: {  	[sflag:s7] =	ssyncset.done $0x0  }
0x15: {  	[sflag:s7] =	ssyncadd.s32 $0xFFFFE000  }
.LBB2_1:
0x16: {  	[tilespmem:s2], [sflag:$0x5] =	stream.linear.gather [hbm4b:s4+s2], $0x6400, $0x38;
	[tilespmem:$0x14C00] =	vst v63  }
0x17: {  	_ =	swait.ge [sflag:s7], $0x6400  }
0x18: {  	[sflag:s7] =	ssyncset.done $0x0  }
0x19: {  	s0 =	simm.s32 $0x6400;
	[sflag:s7] =	ssyncadd.s32 $0xFFFF9C00  }
0x1a: {  	[tilespmem:s0], [sflag:$0x1] =	stream.indirect.gather [hbm4b:s3+s8], $0x40, s2, s8, $0xb8;
	[tilespmem:$0x14C00] =	vst v63  }
0x1b: {  	s31 =	simm.s32 $0x7E00  }
0x1c: {  	[tilespmem:s31], [sflag:$0x1] =	stream.indirect.gather [hbm4b:s3+s10], $0x40, s8, s10, $0xb8;
	[tilespmem:$0x14C00] =	vst v63  }
0x1d: {  	_ = 	snop  }
0x1e: {  	[tilespmem:s13], [sflag:$0x2] =	stream.indirect.gather [hbm4b:s3+s8], $0x40, s12, s8, $0xb8;
	[tilespmem:$0x14C00] =	vst v63  }
0x1f: {  	_ = 	snop  }
0x20: {  	[tilespmem:s15], [sflag:$0x2] =	stream.indirect.gather [hbm4b:s3+s10], $0x40, s14, s10, $0xb8;
	[tilespmem:$0x14C00] =	vst v63  }
0x21: {  	_ = 	snop  }
0x22: {  	[tilespmem:s17], [sflag:$0x3] =	stream.indirect.gather [hbm4b:s3+s8], $0x40, s16, s8, $0xb8;
	[tilespmem:$0x14C00] =	vst v63  }
0x23: {  	s29 =	simm.s32 $0x0  }
0x24: {  	[tilespmem:s19], [sflag:$0x3] =	stream.indirect.gather [hbm4b:s3+s10], $0x40, s18, s10, $0xb8;
	[tilespmem:$0x14C00] =	vst v63  }
.LBB2_2:
0x25: {  	_ =	swait.ge [sflag:s20], $0x3200  }
0x26: {  	[sflag:s20] =	ssyncset.done $0x0  }
0x27: {  	s0 =	simm.s32 $0x0;
	[sflag:s20] =	ssyncadd.s32 $0xFFFFCE00  }
0x28: {  	v1 =	vld [tilespmem:s0+$0x6430]  }
0x29: {  	v2 =	vld [tilespmem:s0+$0x6400]  }
0x2a: {  	v0 =	vimm.f32 $0.0e+00;
	v3 =	vld [tilespmem:s0+$0x6410]  }
0x2b: {  	s1 =	simm.s32 $0x100;
	v7 =	vimm.f32 $0.0e+00;
	v6 =	vimm.f32 $0.0e+00;
	v5 =	vimm.f32 $0.0e+00;
	v4 =	vld [tilespmem:s0+$0x6420]  }
.LBB2_3:
0x2c: {  	p0 =	sne.s32 s1, $0xC700  }
.Ltmp2:
0x2d: {  	s0 =	sshra.s32 s1, $0x2;
	s1 =	sadd.s32 $0x100, s1;
	v0 =	vadd.f32 v1, v0;
	(pc) =	sbr.rel @p0 .LBB2_3-.Ltmp2, $4  }
0x2e: {  	v1 =	vld [tilespmem:s0+$0x6430];
	v7 =	vadd.f32 v2, v7  }
0x2f: {  	v2 =	vld [tilespmem:s0+$0x6400];
	v6 =	vadd.f32 v3, v6  }
0x30: {  	v3 =	vld [tilespmem:s0+$0x6410];
	v5 =	vadd.f32 v4, v5  }
0x31: {  	v4 =	vld [tilespmem:s0+$0x6420]  }
0x32: {  	_ = 	snop  }
0x33: {  	s0 =	sshll.u32 s29, $0x8;
	v0 =	vadd.f32 v1, v0  }
0x34: {  	s31 =	sand.u32 $0x3FFFFF00, s0;
	v2 =	vadd.f32 v2, v7  }
0x35: {  	s30 =	sshllo.u32 s29, $0x2;
	v3 =	vadd.f32 v3, v6;
	[tilespmem:s31+$0x12C30] =	vst v0  }
0x36: {  	s9 =	smul.u32 $0x320, s30;
	v4 =	vadd.f32 v4, v5;
	[tilespmem:s31+$0x12C00] =	vst v2  }
0x37: {  	[tilespmem:s31+$0x12C10] =	vst v3  }
0x38: {  	s0 =	sshra.s32 s9, $0x2;
	[tilespmem:s31+$0x12C20] =	vst v4  }
0x39: {  	[tilespmem:s21], [sflag:$0x4] =	stream.indirect.gather [hbm4b:s3+s8], $0x40, s0, s8, $0xb8;
	[tilespmem:$0x14C00] =	vst v63  }
0x3a: {  	s0 =	sadd.s32 $0x68, s0  }
0x3b: {  	[tilespmem:s22], [sflag:$0x4] =	stream.indirect.gather [hbm4b:s3+s10], $0x40, s0, s10, $0xb8;
	[tilespmem:$0x14C00] =	vst v63  }
0x3c: {  	_ =	swait.ge [sflag:s23], $0x3200  }
0x3d: {  	[sflag:s23] =	ssyncset.done $0x0  }
0x3e: {  	s11 =	simm.s32 $0x0;
	[sflag:s23] =	ssyncadd.s32 $0xFFFFCE00  }
0x3f: {  	v1 =	vld [tilespmem:s11+$0x9630]  }
0x40: {  	v2 =	vld [tilespmem:s11+$0x9600]  }
0x41: {  	v7 =	vimm.f32 $0.0e+00;
	v3 =	vld [tilespmem:s11+$0x9610]  }
0x42: {  	s1 =	simm.s32 $0x100;
	v0 =	vimm.f32 $0.0e+00;
	v6 =	vimm.f32 $0.0e+00;
	v5 =	vimm.f32 $0.0e+00;
	v4 =	vld [tilespmem:s11+$0x9620]  }
.LBB2_5:
0x43: {  	p0 =	sne.s32 s1, $0xC700  }
.Ltmp3:
0x44: {  	s0 =	sshra.s32 s1, $0x2;
	s1 =	sadd.s32 $0x100, s1;
	v0 =	vadd.f32 v1, v0;
	(pc) =	sbr.rel @p0 .LBB2_5-.Ltmp3, $4  }
0x45: {  	v1 =	vld [tilespmem:s0+$0x9630];
	v6 =	vadd.f32 v2, v6  }
0x46: {  	v2 =	vld [tilespmem:s0+$0x9600];
	v7 =	vadd.f32 v3, v7  }
0x47: {  	v3 =	vld [tilespmem:s0+$0x9610];
	v5 =	vadd.f32 v4, v5  }
0x48: {  	v4 =	vld [tilespmem:s0+$0x9620]  }
0x49: {  	_ = 	snop  }
0x4a: {  	v0 =	vadd.f32 v1, v0  }
0x4b: {  	p0 =	seq.s32 s29, $0x1F;
	v2 =	vadd.f32 v2, v6  }
0x4c: {  	s0 =	smul.u32 @!p0 $0xC80, s29;
	v3 =	vadd.f32 v3, v7;
	[tilespmem:s31+$0x12C70] =	vst v0  }
0x4d: {  	v4 =	vadd.f32 v4, v5;
	[tilespmem:s31+$0x12C40] =	vst v2  }
0x4e: {  	s1 =	sshra.s32 @!p0 s0, $0x2;
	[tilespmem:s31+$0x12C50] =	vst v3  }
0x4f: {  	s9 =	simm.s32 @!p0 $0x68;
	s11 =	simm.s32 @!p0 $0x6400;
	s0 =	sadd.s32 @!p0 $0x320, s1;
	[tilespmem:s31+$0x12C60] =	vst v4  }
0x50: {  	[tilespmem:s11], [sflag:$0x1] =	stream.indirect.gather @!p0 [hbm4b:s3+s9], $0x40, s0, s9, $0xb8;
	[tilespmem:$0x14C00] =	vst v63  }
0x51: {  	s0 =	sadd.s32 @!p0 $0x388, s1;
	s9 =	simm.s32 @!p0 $0x60;
	s11 =	simm.s32 @!p0 $0x7E00  }
0x52: {  	[tilespmem:s11], [sflag:$0x1] =	stream.indirect.gather @!p0 [hbm4b:s3+s9], $0x40, s0, s9, $0xb8;
	[tilespmem:$0x14C00] =	vst v63  }
0x53: {  	_ =	swait.ge [sflag:s24], $0x3200  }
0x54: {  	[sflag:s24] =	ssyncset.done $0x0  }
0x55: {  	s11 =	simm.s32 $0x0;
	[sflag:s24] =	ssyncadd.s32 $0xFFFFCE00  }
0x56: {  	v1 =	vld [tilespmem:s11+$0xC830]  }
0x57: {  	v2 =	vld [tilespmem:s11+$0xC800]  }
0x58: {  	v6 =	vimm.f32 $0.0e+00;
	v3 =	vld [tilespmem:s11+$0xC810]  }
0x59: {  	v0 =	vimm.f32 $0.0e+00;
	v7 =	vimm.f32 $0.0e+00;
	v5 =	vimm.f32 $0.0e+00;
	s0 =	simm.s32 $0x100;
	v4 =	vld [tilespmem:s11+$0xC820]  }
.LBB2_7:
0x5a: {  	p1 =	sne.s32 s0, $0xC700  }
.Ltmp4:
0x5b: {  	s9 =	sshra.s32 s0, $0x2;
	s0 =	sadd.s32 $0x100, s0;
	v0 =	vadd.f32 v1, v0;
	(pc) =	sbr.rel @p1 .LBB2_7-.Ltmp4, $4  }
0x5c: {  	v1 =	vld [tilespmem:s9+$0xC830];
	v5 =	vadd.f32 v2, v5  }
0x5d: {  	v2 =	vld [tilespmem:s9+$0xC800];
	v6 =	vadd.f32 v3, v6  }
0x5e: {  	v3 =	vld [tilespmem:s9+$0xC810];
	v7 =	vadd.f32 v4, v7  }
0x5f: {  	v4 =	vld [tilespmem:s9+$0xC820]  }
0x60: {  	_ = 	snop  }
0x61: {  	v0 =	vadd.f32 v1, v0  }
0x62: {  	v2 =	vadd.f32 v2, v5  }
0x63: {  	v3 =	vadd.f32 v3, v6;
	[tilespmem:s31+$0x12CB0] =	vst v0  }
0x64: {  	v4 =	vadd.f32 v4, v7;
	[tilespmem:s31+$0x12C80] =	vst v2  }
0x65: {  	[tilespmem:s31+$0x12C90] =	vst v3  }
0x66: {  	s0 =	sadd.s32 @!p0 $0x3E8, s1;
	s9 =	simm.s32 @!p0 $0x68;
	s11 =	simm.s32 @!p0 $0x9600;
	[tilespmem:s31+$0x12CA0] =	vst v4  }
0x67: {  	[tilespmem:s11], [sflag:$0x2] =	stream.indirect.gather @!p0 [hbm4b:s3+s9], $0x40, s0, s9, $0xb8;
	[tilespmem:$0x14C00] =	vst v63  }
0x68: {  	s0 =	sadd.s32 @!p0 $0x450, s1;
	s1 =	simm.s32 @!p0 $0x60;
	s9 =	simm.s32 @!p0 $0xB000  }
0x69: {  	[tilespmem:s9], [sflag:$0x2] =	stream.indirect.gather @!p0 [hbm4b:s3+s1], $0x40, s0, s1, $0xb8;
	[tilespmem:$0x14C00] =	vst v63  }
0x6a: {  	_ =	swait.ge [sflag:s25], $0x3200  }
0x6b: {  	[sflag:s25] =	ssyncset.done $0x0  }
0x6c: {  	s31 =	simm.s32 $0x0;
	[sflag:s25] =	ssyncadd.s32 $0xFFFFCE00  }
0x6d: {  	v1 =	vld [tilespmem:s31+$0xFA30]  }
0x6e: {  	v2 =	vld [tilespmem:s31+$0xFA00]  }
0x6f: {  	v5 =	vimm.f32 $0.0e+00;
	v3 =	vld [tilespmem:s31+$0xFA10]  }
0x70: {  	v0 =	vimm.f32 $0.0e+00;
	v6 =	vimm.f32 $0.0e+00;
	v7 =	vimm.f32 $0.0e+00;
	s0 =	simm.s32 $0x100;
	v4 =	vld [tilespmem:s31+$0xFA20]  }
.LBB2_9:
0x71: {  	p1 =	sne.s32 s0, $0xC700  }
.Ltmp5:
0x72: {  	s1 =	sshra.s32 s0, $0x2;
	s0 =	sadd.s32 $0x100, s0;
	v0 =	vadd.f32 v1, v0;
	(pc) =	sbr.rel @p1 .LBB2_9-.Ltmp5, $4  }
0x73: {  	v1 =	vld [tilespmem:s1+$0xFA30];
	v7 =	vadd.f32 v2, v7  }
0x74: {  	v2 =	vld [tilespmem:s1+$0xFA00];
	v6 =	vadd.f32 v3, v6  }
0x75: {  	v3 =	vld [tilespmem:s1+$0xFA10];
	v5 =	vadd.f32 v4, v5  }
0x76: {  	v4 =	vld [tilespmem:s1+$0xFA20]  }
0x77: {  	_ = 	snop  }
0x78: {  	s0 =	sshll.u32 s30, $0x6;
	v0 =	vadd.f32 v1, v0  }
.Ltmp6:
0x79: {  	s0 =	sand.u32 $0x3FFFFFC0, s0;
	v2 =	vadd.f32 v2, v7;
	(pc) =	sbr.rel @p0 .LBB2_12-.Ltmp6, $4  }
0x7a: {  	v3 =	vadd.f32 v3, v6;
	[tilespmem:s0+$0x12C30] =	vst v0  }
0x7b: {  	v4 =	vadd.f32 v4, v5;
	[tilespmem:s0+$0x12C00] =	vst v2  }
0x7c: {  	[tilespmem:s0+$0x12C10] =	vst v3  }
0x7d: {  	[tilespmem:s0+$0x12C20] =	vst v4  }
0x7e: {  	s0 =	smul.u32 $0xC80, s29;
	_ =	sdelay $0x1  }
.Ltmp7:
0x7f: {  	s0 =	sshra.s32 s0, $0x2;
	(pc) =	sbr.rel .LBB2_2-.Ltmp7, $4  }
0x80: {  	s1 =	sadd.s32 $0x4B0, s0  }
0x81: {  	[tilespmem:s17], [sflag:$0x3] =	stream.indirect.gather [hbm4b:s3+s8], $0x40, s1, s8, $0xb8;
	[tilespmem:$0x14C00] =	vst v63  }
0x82: {  	s29 =	sadd.s32 $0x1, s29;
	s0 =	sadd.s32 $0x518, s0  }
0x83: {  	[tilespmem:s19], [sflag:$0x3] =	stream.indirect.gather [hbm4b:s3+s10], $0x40, s0, s10, $0xb8;
	[tilespmem:$0x14C00] =	vst v63  }
.LBB2_13:
0x84: {  	_ =	sfence.sel $0x180000  }
0x85: {  	[bflag:$0x0] =	sbarrier.arrive $0xFFFF  }
0x86: {  	_ =	strace $0x90000047  }
0x87: {  	s0 =	stileid.u32;
	[bflag:$0x2] =	sbarrier.arrive $0xFFFF  }
0x88: {  	p0 =	sne.s32 s0, $0x0;
	s0 =	rddreg [dreg:$0x2]  }
0x89: {  	s0 =	sadd.s32 @!p0 $0x100000, s0  }
0x8a: {  	[sflag:s0] =	ssyncadd.tile.s32 @!p0 $0x1;
	_ =	shalt  }
.Lfunc_end2:
_tile_overlayer_lowered:
.L_overlay_start_2:
0x8b: {  	(tag) =	ssettag $0x2  }
0x8c: {  	s0 =	rddreg [dreg:$0x0];
	s2 =	stileid.u32  }
0x8d: {  	s1 =	rddreg [dreg:$0x1];
	p0 =	sne.s32 s2, $0x0  }
0x8e: {  	s3 =	rddreg [dreg:$0x2];
	[bflag:$0x3] =	sbarrier.arrive $0xFFFF;
	s2 =	simm.s32 @!p0 $0x1C05  }
0x8f: {  	[timem:s3], [sflag:s2] =	dma.local @!p0 [hbm:s0], s1  }
0x90: {  	s0 =	simm.s32 @!p0 $0x5  }
0x91: {  	_ =	swait.ge @!p0 [sflag:s0], s1  }
0x92: {  	s1 =	ssub.s32 @!p0 $0x0, s1;
	[sflag:s0] =	ssyncset.done @!p0 $0x0  }
0x93: {  	[sflag:s0] =	ssyncadd.s32 @!p0 s1  }
0x94: {  	[bflag:$0x3] =	sbarrier.arrive $0xFFFF  }
0x95: {  	_ =	shalt  }

</sc_bundles>
